<compile_context>
chip_gen: v7x
topology: tpu7x:2x2x1
jax: 0.10.2.dev20260603
libtpu: 0.0.44.dev20260713+nightly
codegen_flags: <defaults>
</compile_context>

<pallas_src>
import functools

import jax
import jax.numpy as jnp
from jax import lax
from jax.experimental import pallas as pl
from jax.experimental.pallas import tpu as pltpu
from jax.experimental.pallas import tpu_sc as plsc

N = 4096
D = 128
TC_R = 1024
K = 3


def _tc_body(a_ref, b_ref, sqr_ref, sqc_ref, vals_ref, idx_ref):
    a = a_ref[...]
    b = b_ref[...]
    gram = lax.dot_general(a, b, (((1,), (1,)), ((), ())),
                           preferred_element_type=jnp.float32)
    d2 = sqr_ref[...] + sqc_ref[...] - 2.0 * gram
    big = jnp.float32(jnp.inf)
    work = jnp.where(d2 > 0.0, d2, big)
    row0 = pl.program_id(0) * TC_R
    growsr = row0 + lax.broadcasted_iota(jnp.int32, (1, TC_R), 1)
    colf = lax.broadcasted_iota(jnp.int32, (1, N), 1).astype(jnp.float32)
    bigc = jnp.float32(N)
    for kk in range(K):
        m = jnp.min(work, axis=1, keepdims=True)
        sel = work == m
        idxf = jnp.min(jnp.where(sel, colf, bigc), axis=1, keepdims=True)
        vals_ref[kk:kk + 1, :] = 1.0 / (jnp.sqrt(m.T) + 1.0)
        idx_ref[kk:kk + 1, :] = growsr * N + idxf.T.astype(jnp.int32)
        if kk + 1 < K:
            work = jnp.where(colf == idxf, big, work)


def _tc_top3(x, sq_col, sq_row):
    return pl.pallas_call(
        _tc_body,
        grid=(N // TC_R,),
        in_specs=[
            pl.BlockSpec((TC_R, D), lambda i: (i, 0)),
            pl.BlockSpec((N, D), lambda i: (0, 0)),
            pl.BlockSpec((TC_R, 1), lambda i: (i, 0)),
            pl.BlockSpec((1, N), lambda i: (0, 0)),
        ],
        out_specs=[
            pl.BlockSpec((K, TC_R), lambda i: (0, i)),
            pl.BlockSpec((K, TC_R), lambda i: (0, i)),
        ],
        out_shape=[
            jax.ShapeDtypeStruct((K, N), jnp.float32),
            jax.ShapeDtypeStruct((K, N), jnp.int32),
        ],
    )(x, x, sq_col, sq_row)


def _sc_combine(idxT, valsT, memflat):
    info = plsc.get_sparse_core_info()
    nw = info.num_cores * info.num_subcores
    rpw = N // nw
    mesh = plsc.VectorSubcoreMesh(core_axis_name="c", subcore_axis_name="s")

    @functools.partial(
        pl.kernel,
        mesh=mesh,
        out_type=jax.ShapeDtypeStruct((N,), jnp.float32),
        scratch_types=[
            pltpu.VMEM((K, rpw), jnp.int32),
            pltpu.VMEM((K, rpw), jnp.int32),
            pltpu.VMEM((K, rpw), jnp.float32),
            pltpu.VMEM((rpw,), jnp.float32),
            pltpu.SemaphoreType.DMA,
        ],
    )
    def k(idx_hbm, vals_hbm, mem_hbm, out_hbm, idx_v, mem_v, vals_v, out_v, sem):
        wid = lax.axis_index("s") * info.num_cores + lax.axis_index("c")
        base = wid * rpw
        nl = info.num_lanes
        pltpu.sync_copy(idx_hbm.at[:, pl.ds(base, rpw)], idx_v)
        pltpu.sync_copy(vals_hbm.at[:, pl.ds(base, rpw)], vals_v)
        for kk in range(K):
            pltpu.async_copy(mem_hbm.at[idx_v.at[kk]], mem_v.at[kk], sem).wait()
        for j in range(rpw // nl):
            s = pl.ds(j * nl, nl)
            acc = vals_v[0, s] * mem_v[0, s].astype(jnp.float32)
            acc = acc + vals_v[1, s] * mem_v[1, s].astype(jnp.float32)
            acc = acc + vals_v[2, s] * mem_v[2, s].astype(jnp.float32)
            out_v[s] = acc / 3.0
        pltpu.sync_copy(out_v, out_hbm.at[pl.ds(base, rpw)])

    return k(idxT, valsT, memflat)


def kernel(items_embeddings, membership):
    x = items_embeddings
    sq = jnp.sum(x * x, axis=1)
    vals, idx = _tc_top3(x, sq[:, None], sq[None, :])
    return _sc_combine(idx, vals, membership.reshape(-1))

# --- scband reference (transcript-rebuilt; emitter-appended) ---
"""Pipeline reference for scband-course-preference-48696339202412 (READ-ONLY COPY).

The authoritative reference and input builder live on the scoring server;
editing this copy changes nothing except your own understanding.
"""

import jax, jax.numpy as jnp
import numpy as np

N = 4096
D = 128

def setup_inputs(seed: int = 0) -> dict:
    key = jax.random.key(seed)
    k1, k2 = jax.random.split(key)
    items_embeddings = jax.random.normal(k1, (N, D), dtype=jnp.float32)
    membership = jax.random.randint(k2, (N, N), 0, 2, dtype=jnp.int32)
    return {"items_embeddings": items_embeddings, "membership": membership}

def reference(items_embeddings, membership):
    # Pairwise euclidean distance: ||a-b|| via gram matrix (faithful to
    # np.linalg.norm(v1 - v2) in get_eur_similar).
    sq = jnp.sum(items_embeddings * items_embeddings, axis=1)
    gram = items_embeddings @ items_embeddings.T
    d2 = sq[:, None] + sq[None, :] - 2.0 * gram
    d2 = jnp.maximum(d2, 0.0)
    # safe sqrt (zero distance on the diagonal / exact duplicates)
    pos = d2 > 0.0
    dist = jnp.where(pos, jnp.sqrt(jnp.where(pos, d2, 1.0)), 0.0)
    sim = 1.0 / (dist + 1.0)
    # original zeroes out any similarity that is exactly 1.0 (self / duplicate)
    sim = jnp.where(sim == 1.0, 0.0, sim)
    # heapq.nlargest(3, ...) -> top-3 neighbor indices per item
    top_vals, top_idx = jax.lax.top_k(sim, 3)
    # choice(user_l, n_entitys[idx], User) -> membership[l, idx] in {0,1}
    member = jnp.take_along_axis(membership, top_idx, axis=1).astype(top_vals.dtype)
    # p = sum(sim * indicator) / 3.0 per user/item row
    course_preference_degree = jnp.sum(top_vals * member, axis=1) / 3.0
    return course_preference_degree

if __name__ == "__main__":
    import jax
    _d = setup_inputs()
    print(jax.jit(kernel)(*tuple(_d.values())))

</pallas_src>

<mosaic_0001>
#map = affine_map<(d0, d1) -> (0, 0)>
#map1 = affine_map<(d0, d1) -> (0)>
module attributes {stable_mosaic.version = 14 : i64} {
  func.func @k(%arg0: i32, %arg1: i32, %arg2: memref<3x4096xi32, #tpu.memory_space<hbm>>, %arg3: memref<3x4096xf32, #tpu.memory_space<hbm>>, %arg4: memref<16777216xi32, #tpu.memory_space<hbm>>, %arg5: memref<4096xf32, #tpu.memory_space<hbm>>, %arg6: memref<3x128xi32, #tpu.memory_space<vmem>>, %arg7: memref<3x128xi32, #tpu.memory_space<vmem>>, %arg8: memref<3x128xf32, #tpu.memory_space<vmem>>, %arg9: memref<128xf32, #tpu.memory_space<vmem>>, %arg10: memref<!tpu.dma_semaphore, #tpu.memory_space<semaphore_mem>>) attributes {dimension_semantics = [#tpu.dimension_semantics<core_parallel>, #tpu.dimension_semantics<subcore_parallel>], iteration_bounds = array<i64: 2, 16>, scalar_prefetch = 0 : i64, scratch_operands = 5 : i64, tpu.core_type = #tpu.core_type<sc_vector_subcore>, window_params = [{transform_indices = #map}, {transform_indices = #map}, {transform_indices = #map1}, {transform_indices = #map1}]} {
    %mul3A = arith.constant 2 : i32
    %mul3A_0 = arith.muli %arg1, %mul3A : i32
    %add3A = arith.addi %mul3A_0, %arg0 : i32
    %mul3A_1 = arith.constant 128 : i32
    %mul3A_2 = arith.muli %add3A, %mul3A_1 : i32
    "tpu.region"() ({
      %run_scoped3A = tpu.sem_alloc : memref<!tpu.dma_semaphore, #tpu.memory_space<semaphore_mem>>
      %dma_start3A_417 = arith.constant 0 : i32
      %dma_start3A_418 = tpu.memref_slice %arg2[%dma_start3A_417, %mul3A_2] : memref<3x4096xi32, #tpu.memory_space<hbm>> -> memref<3x128xi32, #tpu.memory_space<hbm>>
      %dma_start3A_419 = arith.constant 0 : i32
      %dma_start3A_420 = tpu.memref_slice %arg2[%dma_start3A_419, %mul3A_2] : memref<3x4096xi32, #tpu.memory_space<hbm>> -> memref<3x128xi32, #tpu.memory_space<hbm>>
      tpu.enqueue_dma source(%dma_start3A_420 : memref<3x128xi32, #tpu.memory_space<hbm>>) target(%arg6 : memref<3x128xi32, #tpu.memory_space<vmem>>) target_semaphore(%run_scoped3A : memref<!tpu.dma_semaphore, #tpu.memory_space<semaphore_mem>>)
      %dma_wait3A_421 = arith.constant 0 : i32
      %dma_wait3A_422 = tpu.memref_slice %arg2[%dma_wait3A_421, %mul3A_2] : memref<3x4096xi32, #tpu.memory_space<hbm>> -> memref<3x128xi32, #tpu.memory_space<hbm>>
      %dma_wait3A_423 = arith.constant 0 : i32
      %dma_wait3A_424 = tpu.memref_slice %arg2[%dma_wait3A_423, %mul3A_2] : memref<3x4096xi32, #tpu.memory_space<hbm>> -> memref<3x128xi32, #tpu.memory_space<hbm>>
      tpu.wait_dma2 semaphore(%run_scoped3A : memref<!tpu.dma_semaphore, #tpu.memory_space<semaphore_mem>>) src(%dma_wait3A_424 : memref<3x128xi32, #tpu.memory_space<hbm>>) dst(%arg6 : memref<3x128xi32, #tpu.memory_space<vmem>>)
      tpu.yield
    }) : () -> ()
    "tpu.region"() ({
      %run_scoped3A = tpu.sem_alloc : memref<!tpu.dma_semaphore, #tpu.memory_space<semaphore_mem>>
      %dma_start3A_417 = arith.constant 0 : i32
      %dma_start3A_418 = tpu.memref_slice %arg3[%dma_start3A_417, %mul3A_2] : memref<3x4096xf32, #tpu.memory_space<hbm>> -> memref<3x128xf32, #tpu.memory_space<hbm>>
      %dma_start3A_419 = arith.constant 0 : i32
      %dma_start3A_420 = tpu.memref_slice %arg3[%dma_start3A_419, %mul3A_2] : memref<3x4096xf32, #tpu.memory_space<hbm>> -> memref<3x128xf32, #tpu.memory_space<hbm>>
      tpu.enqueue_dma source(%dma_start3A_420 : memref<3x128xf32, #tpu.memory_space<hbm>>) target(%arg8 : memref<3x128xf32, #tpu.memory_space<vmem>>) target_semaphore(%run_scoped3A : memref<!tpu.dma_semaphore, #tpu.memory_space<semaphore_mem>>)
      %dma_wait3A_421 = arith.constant 0 : i32
      %dma_wait3A_422 = tpu.memref_slice %arg3[%dma_wait3A_421, %mul3A_2] : memref<3x4096xf32, #tpu.memory_space<hbm>> -> memref<3x128xf32, #tpu.memory_space<hbm>>
      %dma_wait3A_423 = arith.constant 0 : i32
      %dma_wait3A_424 = tpu.memref_slice %arg3[%dma_wait3A_423, %mul3A_2] : memref<3x4096xf32, #tpu.memory_space<hbm>> -> memref<3x128xf32, #tpu.memory_space<hbm>>
      tpu.wait_dma2 semaphore(%run_scoped3A : memref<!tpu.dma_semaphore, #tpu.memory_space<semaphore_mem>>) src(%dma_wait3A_424 : memref<3x128xf32, #tpu.memory_space<hbm>>) dst(%arg8 : memref<3x128xf32, #tpu.memory_space<vmem>>)
      tpu.yield
    }) : () -> ()
    %dma_start3A = arith.constant 0 : i32
    %dma_start3A_3 = arith.constant 0 : i32
    %dma_start3A_4 = arith.constant 0 : i32
    %dma_start3A_5 = tpu.memref_slice %arg7[%dma_start3A_3, %dma_start3A_4] : memref<3x128xi32, #tpu.memory_space<vmem>> -> memref<1x128xi32, #tpu.memory_space<vmem>>
    %dma_start3A_6 = tpu.memref_squeeze %dma_start3A_5 : memref<1x128xi32, #tpu.memory_space<vmem>> -> memref<128xi32, #tpu.memory_space<vmem>>
    %dma_start3A_7 = arith.constant 0 : i32
    %dma_start3A_8 = tpu.memref_slice %arg6[%dma_start3A, %dma_start3A_7] : memref<3x128xi32, #tpu.memory_space<vmem>> -> memref<1x128xi32, #tpu.memory_space<vmem>>
    %dma_start3A_9 = tpu.memref_squeeze %dma_start3A_8 : memref<1x128xi32, #tpu.memory_space<vmem>> -> memref<128xi32, #tpu.memory_space<vmem>>
    %dma_start3A_10 = arith.constant 0 : i32
    %dma_start3A_11 = tpu.memref_slice %arg4[%dma_start3A_10] : memref<16777216xi32, #tpu.memory_space<hbm>> -> memref<16777216xi32, #tpu.memory_space<hbm>>
    tpu.enqueue_indirect_dma source(%dma_start3A_11 : memref<16777216xi32, #tpu.memory_space<hbm>>) target(%dma_start3A_6 : memref<128xi32, #tpu.memory_space<vmem>>) offsets(%dma_start3A_9 : memref<128xi32, #tpu.memory_space<vmem>>) semaphore(%arg10 : memref<!tpu.dma_semaphore, #tpu.memory_space<semaphore_mem>>)
    %dma_wait3A = arith.constant 0 : i32
    %dma_wait3A_12 = arith.constant 0 : i32
    %dma_wait3A_13 = arith.constant 0 : i32
    %dma_wait3A_14 = tpu.memref_slice %arg7[%dma_wait3A_12, %dma_wait3A_13] : memref<3x128xi32, #tpu.memory_space<vmem>> -> memref<1x128xi32, #tpu.memory_space<vmem>>
    %dma_wait3A_15 = tpu.memref_squeeze %dma_wait3A_14 : memref<1x128xi32, #tpu.memory_space<vmem>> -> memref<128xi32, #tpu.memory_space<vmem>>
    %dma_wait3A_16 = arith.constant 0 : i32
    %dma_wait3A_17 = tpu.memref_slice %arg6[%dma_wait3A, %dma_wait3A_16] : memref<3x128xi32, #tpu.memory_space<vmem>> -> memref<1x128xi32, #tpu.memory_space<vmem>>
    %dma_wait3A_18 = tpu.memref_squeeze %dma_wait3A_17 : memref<1x128xi32, #tpu.memory_space<vmem>> -> memref<128xi32, #tpu.memory_space<vmem>>
    %dma_wait3A_19 = arith.constant 0 : i32
    %dma_wait3A_20 = tpu.memref_slice %arg4[%dma_wait3A_19] : memref<16777216xi32, #tpu.memory_space<hbm>> -> memref<16777216xi32, #tpu.memory_space<hbm>>
    tpu.wait_indirect_dma semaphore(%arg10 : memref<!tpu.dma_semaphore, #tpu.memory_space<semaphore_mem>>) src(%dma_wait3A_20 : memref<16777216xi32, #tpu.memory_space<hbm>>) dst(%dma_wait3A_15 : memref<128xi32, #tpu.memory_space<vmem>>)
    %dma_start3A_21 = arith.constant 1 : i32
    %dma_start3A_22 = arith.constant 1 : i32
    %dma_start3A_23 = arith.constant 0 : i32
    %dma_start3A_24 = tpu.memref_slice %arg7[%dma_start3A_22, %dma_start3A_23] : memref<3x128xi32, #tpu.memory_space<vmem>> -> memref<1x128xi32, #tpu.memory_space<vmem>>
    %dma_start3A_25 = tpu.memref_squeeze %dma_start3A_24 : memref<1x128xi32, #tpu.memory_space<vmem>> -> memref<128xi32, #tpu.memory_space<vmem>>
    %dma_start3A_26 = arith.constant 0 : i32
    %dma_start3A_27 = tpu.memref_slice %arg6[%dma_start3A_21, %dma_start3A_26] : memref<3x128xi32, #tpu.memory_space<vmem>> -> memref<1x128xi32, #tpu.memory_space<vmem>>
    %dma_start3A_28 = tpu.memref_squeeze %dma_start3A_27 : memref<1x128xi32, #tpu.memory_space<vmem>> -> memref<128xi32, #tpu.memory_space<vmem>>
    %dma_start3A_29 = arith.constant 0 : i32
    %dma_start3A_30 = tpu.memref_slice %arg4[%dma_start3A_29] : memref<16777216xi32, #tpu.memory_space<hbm>> -> memref<16777216xi32, #tpu.memory_space<hbm>>
    tpu.enqueue_indirect_dma source(%dma_start3A_30 : memref<16777216xi32, #tpu.memory_space<hbm>>) target(%dma_start3A_25 : memref<128xi32, #tpu.memory_space<vmem>>) offsets(%dma_start3A_28 : memref<128xi32, #tpu.memory_space<vmem>>) semaphore(%arg10 : memref<!tpu.dma_semaphore, #tpu.memory_space<semaphore_mem>>)
    %dma_wait3A_31 = arith.constant 1 : i32
    %dma_wait3A_32 = arith.constant 1 : i32
    %dma_wait3A_33 = arith.constant 0 : i32
    %dma_wait3A_34 = tpu.memref_slice %arg7[%dma_wait3A_32, %dma_wait3A_33] : memref<3x128xi32, #tpu.memory_space<vmem>> -> memref<1x128xi32, #tpu.memory_space<vmem>>
    %dma_wait3A_35 = tpu.memref_squeeze %dma_wait3A_34 : memref<1x128xi32, #tpu.memory_space<vmem>> -> memref<128xi32, #tpu.memory_space<vmem>>
    %dma_wait3A_36 = arith.constant 0 : i32
    %dma_wait3A_37 = tpu.memref_slice %arg6[%dma_wait3A_31, %dma_wait3A_36] : memref<3x128xi32, #tpu.memory_space<vmem>> -> memref<1x128xi32, #tpu.memory_space<vmem>>
    %dma_wait3A_38 = tpu.memref_squeeze %dma_wait3A_37 : memref<1x128xi32, #tpu.memory_space<vmem>> -> memref<128xi32, #tpu.memory_space<vmem>>
    %dma_wait3A_39 = arith.constant 0 : i32
    %dma_wait3A_40 = tpu.memref_slice %arg4[%dma_wait3A_39] : memref<16777216xi32, #tpu.memory_space<hbm>> -> memref<16777216xi32, #tpu.memory_space<hbm>>
    tpu.wait_indirect_dma semaphore(%arg10 : memref<!tpu.dma_semaphore, #tpu.memory_space<semaphore_mem>>) src(%dma_wait3A_40 : memref<16777216xi32, #tpu.memory_space<hbm>>) dst(%dma_wait3A_35 : memref<128xi32, #tpu.memory_space<vmem>>)
    %dma_start3A_41 = arith.constant 2 : i32
    %dma_start3A_42 = arith.constant 2 : i32
    %dma_start3A_43 = arith.constant 0 : i32
    %dma_start3A_44 = tpu.memref_slice %arg7[%dma_start3A_42, %dma_start3A_43] : memref<3x128xi32, #tpu.memory_space<vmem>> -> memref<1x128xi32, #tpu.memory_space<vmem>>
    %dma_start3A_45 = tpu.memref_squeeze %dma_start3A_44 : memref<1x128xi32, #tpu.memory_space<vmem>> -> memref<128xi32, #tpu.memory_space<vmem>>
    %dma_start3A_46 = arith.constant 0 : i32
    %dma_start3A_47 = tpu.memref_slice %arg6[%dma_start3A_41, %dma_start3A_46] : memref<3x128xi32, #tpu.memory_space<vmem>> -> memref<1x128xi32, #tpu.memory_space<vmem>>
    %dma_start3A_48 = tpu.memref_squeeze %dma_start3A_47 : memref<1x128xi32, #tpu.memory_space<vmem>> -> memref<128xi32, #tpu.memory_space<vmem>>
    %dma_start3A_49 = arith.constant 0 : i32
    %dma_start3A_50 = tpu.memref_slice %arg4[%dma_start3A_49] : memref<16777216xi32, #tpu.memory_space<hbm>> -> memref<16777216xi32, #tpu.memory_space<hbm>>
    tpu.enqueue_indirect_dma source(%dma_start3A_50 : memref<16777216xi32, #tpu.memory_space<hbm>>) target(%dma_start3A_45 : memref<128xi32, #tpu.memory_space<vmem>>) offsets(%dma_start3A_48 : memref<128xi32, #tpu.memory_space<vmem>>) semaphore(%arg10 : memref<!tpu.dma_semaphore, #tpu.memory_space<semaphore_mem>>)
    %dma_wait3A_51 = arith.constant 2 : i32
    %dma_wait3A_52 = arith.constant 2 : i32
    %dma_wait3A_53 = arith.constant 0 : i32
    %dma_wait3A_54 = tpu.memref_slice %arg7[%dma_wait3A_52, %dma_wait3A_53] : memref<3x128xi32, #tpu.memory_space<vmem>> -> memref<1x128xi32, #tpu.memory_space<vmem>>
    %dma_wait3A_55 = tpu.memref_squeeze %dma_wait3A_54 : memref<1x128xi32, #tpu.memory_space<vmem>> -> memref<128xi32, #tpu.memory_space<vmem>>
    %dma_wait3A_56 = arith.constant 0 : i32
    %dma_wait3A_57 = tpu.memref_slice %arg6[%dma_wait3A_51, %dma_wait3A_56] : memref<3x128xi32, #tpu.memory_space<vmem>> -> memref<1x128xi32, #tpu.memory_space<vmem>>
    %dma_wait3A_58 = tpu.memref_squeeze %dma_wait3A_57 : memref<1x128xi32, #tpu.memory_space<vmem>> -> memref<128xi32, #tpu.memory_space<vmem>>
    %dma_wait3A_59 = arith.constant 0 : i32
    %dma_wait3A_60 = tpu.memref_slice %arg4[%dma_wait3A_59] : memref<16777216xi32, #tpu.memory_space<hbm>> -> memref<16777216xi32, #tpu.memory_space<hbm>>
    tpu.wait_indirect_dma semaphore(%arg10 : memref<!tpu.dma_semaphore, #tpu.memory_space<semaphore_mem>>) src(%dma_wait3A_60 : memref<16777216xi32, #tpu.memory_space<hbm>>) dst(%dma_wait3A_55 : memref<128xi32, #tpu.memory_space<vmem>>)
    %get3A = arith.constant 0 : i32
    %get3A_61 = arith.index_cast %get3A : i32 to index
    %get3A_62 = arith.constant 0 : index
    %get3A_63 = tpu.vector_load %arg8[%get3A_61, %get3A_62] {strides = array<i32>} : memref<3x128xf32, #tpu.memory_space<vmem>>, vector<1x16xf32>,
    %get3A_64 = vector.shape_cast %get3A_63 : vector<1x16xf32> to vector<16xf32>
    %get3A_65 = arith.constant 0 : i32
    %get3A_66 = arith.index_cast %get3A_65 : i32 to index
    %get3A_67 = arith.constant 0 : index
    %get3A_68 = tpu.vector_load %arg7[%get3A_66, %get3A_67] {strides = array<i32>} : memref<3x128xi32, #tpu.memory_space<vmem>>, vector<1x16xi32>,
    %get3A_69 = vector.shape_cast %get3A_68 : vector<1x16xi32> to vector<16xi32>
    %convert_element_type3A = arith.sitofp %get3A_69 : vector<16xi32> to vector<16xf32>
    %mul3A_70 = arith.mulf %get3A_64, %convert_element_type3A : vector<16xf32>
    %get3A_71 = arith.constant 1 : i32
    %get3A_72 = arith.index_cast %get3A_71 : i32 to index
    %get3A_73 = arith.constant 0 : index
    %get3A_74 = tpu.vector_load %arg8[%get3A_72, %get3A_73] {strides = array<i32>} : memref<3x128xf32, #tpu.memory_space<vmem>>, vector<1x16xf32>,
    %get3A_75 = vector.shape_cast %get3A_74 : vector<1x16xf32> to vector<16xf32>
    %get3A_76 = arith.constant 1 : i32
    %get3A_77 = arith.index_cast %get3A_76 : i32 to index
    %get3A_78 = arith.constant 0 : index
    %get3A_79 = tpu.vector_load %arg7[%get3A_77, %get3A_78] {strides = array<i32>} : memref<3x128xi32, #tpu.memory_space<vmem>>, vector<1x16xi32>,
    %get3A_80 = vector.shape_cast %get3A_79 : vector<1x16xi32> to vector<16xi32>
    %convert_element_type3A_81 = arith.sitofp %get3A_80 : vector<16xi32> to vector<16xf32>
    %mul3A_82 = arith.mulf %get3A_75, %convert_element_type3A_81 : vector<16xf32>
    %add3A_83 = arith.addf %mul3A_70, %mul3A_82 : vector<16xf32>
    %get3A_84 = arith.constant 2 : i32
    %get3A_85 = arith.index_cast %get3A_84 : i32 to index
    %get3A_86 = arith.constant 0 : index
    %get3A_87 = tpu.vector_load %arg8[%get3A_85, %get3A_86] {strides = array<i32>} : memref<3x128xf32, #tpu.memory_space<vmem>>, vector<1x16xf32>,
    %get3A_88 = vector.shape_cast %get3A_87 : vector<1x16xf32> to vector<16xf32>
    %get3A_89 = arith.constant 2 : i32
    %get3A_90 = arith.index_cast %get3A_89 : i32 to index
    %get3A_91 = arith.constant 0 : index
    %get3A_92 = tpu.vector_load %arg7[%get3A_90, %get3A_91] {strides = array<i32>} : memref<3x128xi32, #tpu.memory_space<vmem>>, vector<1x16xi32>,
    %get3A_93 = vector.shape_cast %get3A_92 : vector<1x16xi32> to vector<16xi32>
    %convert_element_type3A_94 = arith.sitofp %get3A_93 : vector<16xi32> to vector<16xf32>
    %mul3A_95 = arith.mulf %get3A_88, %convert_element_type3A_94 : vector<16xf32>
    %add3A_96 = arith.addf %add3A_83, %mul3A_95 : vector<16xf32>
    %div3A = arith.constant 3.000000e+00 : f32
    %div3A_97 = vector.broadcast %div3A : f32 to vector<16xf32>
    %div3A_98 = arith.divf %add3A_96, %div3A_97 : vector<16xf32>
    %swap3A = arith.constant 0 : index
    %swap3A_99 = tpu.vector_load %arg9[%swap3A] {strides = array<i32>} : memref<128xf32, #tpu.memory_space<vmem>>, vector<16xf32>,
    %swap3A_100 = vector.shape_cast %swap3A_99 : vector<16xf32> to vector<16xf32>
    %swap3A_101 = vector.shape_cast %div3A_98 : vector<16xf32> to vector<16xf32>
    tpu.vector_store %arg9[%swap3A], %swap3A_101 {strides = array<i32>} : memref<128xf32, #tpu.memory_space<vmem>>, vector<16xf32>,
    %get3A_102 = arith.constant 0 : i32
    %get3A_103 = arith.index_cast %get3A_102 : i32 to index
    %get3A_104 = arith.constant 16 : index
    %get3A_105 = tpu.vector_load %arg8[%get3A_103, %get3A_104] {strides = array<i32>} : memref<3x128xf32, #tpu.memory_space<vmem>>, vector<1x16xf32>,
    %get3A_106 = vector.shape_cast %get3A_105 : vector<1x16xf32> to vector<16xf32>
    %get3A_107 = arith.constant 0 : i32
    %get3A_108 = arith.index_cast %get3A_107 : i32 to index
    %get3A_109 = arith.constant 16 : index
    %get3A_110 = tpu.vector_load %arg7[%get3A_108, %get3A_109] {strides = array<i32>} : memref<3x128xi32, #tpu.memory_space<vmem>>, vector<1x16xi32>,
    %get3A_111 = vector.shape_cast %get3A_110 : vector<1x16xi32> to vector<16xi32>
    %convert_element_type3A_112 = arith.sitofp %get3A_111 : vector<16xi32> to vector<16xf32>
    %mul3A_113 = arith.mulf %get3A_106, %convert_element_type3A_112 : vector<16xf32>
    %get3A_114 = arith.constant 1 : i32
    %get3A_115 = arith.index_cast %get3A_114 : i32 to index
    %get3A_116 = arith.constant 16 : index
    %get3A_117 = tpu.vector_load %arg8[%get3A_115, %get3A_116] {strides = array<i32>} : memref<3x128xf32, #tpu.memory_space<vmem>>, vector<1x16xf32>,
    %get3A_118 = vector.shape_cast %get3A_117 : vector<1x16xf32> to vector<16xf32>
    %get3A_119 = arith.constant 1 : i32
    %get3A_120 = arith.index_cast %get3A_119 : i32 to index
    %get3A_121 = arith.constant 16 : index
    %get3A_122 = tpu.vector_load %arg7[%get3A_120, %get3A_121] {strides = array<i32>} : memref<3x128xi32, #tpu.memory_space<vmem>>, vector<1x16xi32>,
    %get3A_123 = vector.shape_cast %get3A_122 : vector<1x16xi32> to vector<16xi32>
    %convert_element_type3A_124 = arith.sitofp %get3A_123 : vector<16xi32> to vector<16xf32>
    %mul3A_125 = arith.mulf %get3A_118, %convert_element_type3A_124 : vector<16xf32>
    %add3A_126 = arith.addf %mul3A_113, %mul3A_125 : vector<16xf32>
    %get3A_127 = arith.constant 2 : i32
    %get3A_128 = arith.index_cast %get3A_127 : i32 to index
    %get3A_129 = arith.constant 16 : index
    %get3A_130 = tpu.vector_load %arg8[%get3A_128, %get3A_129] {strides = array<i32>} : memref<3x128xf32, #tpu.memory_space<vmem>>, vector<1x16xf32>,
    %get3A_131 = vector.shape_cast %get3A_130 : vector<1x16xf32> to vector<16xf32>
    %get3A_132 = arith.constant 2 : i32
    %get3A_133 = arith.index_cast %get3A_132 : i32 to index
    %get3A_134 = arith.constant 16 : index
    %get3A_135 = tpu.vector_load %arg7[%get3A_133, %get3A_134] {strides = array<i32>} : memref<3x128xi32, #tpu.memory_space<vmem>>, vector<1x16xi32>,
    %get3A_136 = vector.shape_cast %get3A_135 : vector<1x16xi32> to vector<16xi32>
    %convert_element_type3A_137 = arith.sitofp %get3A_136 : vector<16xi32> to vector<16xf32>
    %mul3A_138 = arith.mulf %get3A_131, %convert_element_type3A_137 : vector<16xf32>
    %add3A_139 = arith.addf %add3A_126, %mul3A_138 : vector<16xf32>
    %div3A_140 = arith.constant 3.000000e+00 : f32
    %div3A_141 = vector.broadcast %div3A_140 : f32 to vector<16xf32>
    %div3A_142 = arith.divf %add3A_139, %div3A_141 : vector<16xf32>
    %swap3A_143 = arith.constant 16 : index
    %swap3A_144 = tpu.vector_load %arg9[%swap3A_143] {strides = array<i32>} : memref<128xf32, #tpu.memory_space<vmem>>, vector<16xf32>,
    %swap3A_145 = vector.shape_cast %swap3A_144 : vector<16xf32> to vector<16xf32>
    %swap3A_146 = vector.shape_cast %div3A_142 : vector<16xf32> to vector<16xf32>
    tpu.vector_store %arg9[%swap3A_143], %swap3A_146 {strides = array<i32>} : memref<128xf32, #tpu.memory_space<vmem>>, vector<16xf32>,
    %get3A_147 = arith.constant 0 : i32
    %get3A_148 = arith.index_cast %get3A_147 : i32 to index
    %get3A_149 = arith.constant 32 : index
    %get3A_150 = tpu.vector_load %arg8[%get3A_148, %get3A_149] {strides = array<i32>} : memref<3x128xf32, #tpu.memory_space<vmem>>, vector<1x16xf32>,
    %get3A_151 = vector.shape_cast %get3A_150 : vector<1x16xf32> to vector<16xf32>
    %get3A_152 = arith.constant 0 : i32
    %get3A_153 = arith.index_cast %get3A_152 : i32 to index
    %get3A_154 = arith.constant 32 : index
    %get3A_155 = tpu.vector_load %arg7[%get3A_153, %get3A_154] {strides = array<i32>} : memref<3x128xi32, #tpu.memory_space<vmem>>, vector<1x16xi32>,
    %get3A_156 = vector.shape_cast %get3A_155 : vector<1x16xi32> to vector<16xi32>
    %convert_element_type3A_157 = arith.sitofp %get3A_156 : vector<16xi32> to vector<16xf32>
    %mul3A_158 = arith.mulf %get3A_151, %convert_element_type3A_157 : vector<16xf32>
    %get3A_159 = arith.constant 1 : i32
    %get3A_160 = arith.index_cast %get3A_159 : i32 to index
    %get3A_161 = arith.constant 32 : index
    %get3A_162 = tpu.vector_load %arg8[%get3A_160, %get3A_161] {strides = array<i32>} : memref<3x128xf32, #tpu.memory_space<vmem>>, vector<1x16xf32>,
    %get3A_163 = vector.shape_cast %get3A_162 : vector<1x16xf32> to vector<16xf32>
    %get3A_164 = arith.constant 1 : i32
    %get3A_165 = arith.index_cast %get3A_164 : i32 to index
    %get3A_166 = arith.constant 32 : index
    %get3A_167 = tpu.vector_load %arg7[%get3A_165, %get3A_166] {strides = array<i32>} : memref<3x128xi32, #tpu.memory_space<vmem>>, vector<1x16xi32>,
    %get3A_168 = vector.shape_cast %get3A_167 : vector<1x16xi32> to vector<16xi32>
    %convert_element_type3A_169 = arith.sitofp %get3A_168 : vector<16xi32> to vector<16xf32>
    %mul3A_170 = arith.mulf %get3A_163, %convert_element_type3A_169 : vector<16xf32>
    %add3A_171 = arith.addf %mul3A_158, %mul3A_170 : vector<16xf32>
    %get3A_172 = arith.constant 2 : i32
    %get3A_173 = arith.index_cast %get3A_172 : i32 to index
    %get3A_174 = arith.constant 32 : index
    %get3A_175 = tpu.vector_load %arg8[%get3A_173, %get3A_174] {strides = array<i32>} : memref<3x128xf32, #tpu.memory_space<vmem>>, vector<1x16xf32>,
    %get3A_176 = vector.shape_cast %get3A_175 : vector<1x16xf32> to vector<16xf32>
    %get3A_177 = arith.constant 2 : i32
    %get3A_178 = arith.index_cast %get3A_177 : i32 to index
    %get3A_179 = arith.constant 32 : index
    %get3A_180 = tpu.vector_load %arg7[%get3A_178, %get3A_179] {strides = array<i32>} : memref<3x128xi32, #tpu.memory_space<vmem>>, vector<1x16xi32>,
    %get3A_181 = vector.shape_cast %get3A_180 : vector<1x16xi32> to vector<16xi32>
    %convert_element_type3A_182 = arith.sitofp %get3A_181 : vector<16xi32> to vector<16xf32>
    %mul3A_183 = arith.mulf %get3A_176, %convert_element_type3A_182 : vector<16xf32>
    %add3A_184 = arith.addf %add3A_171, %mul3A_183 : vector<16xf32>
    %div3A_185 = arith.constant 3.000000e+00 : f32
    %div3A_186 = vector.broadcast %div3A_185 : f32 to vector<16xf32>
    %div3A_187 = arith.divf %add3A_184, %div3A_186 : vector<16xf32>
    %swap3A_188 = arith.constant 32 : index
    %swap3A_189 = tpu.vector_load %arg9[%swap3A_188] {strides = array<i32>} : memref<128xf32, #tpu.memory_space<vmem>>, vector<16xf32>,
    %swap3A_190 = vector.shape_cast %swap3A_189 : vector<16xf32> to vector<16xf32>
    %swap3A_191 = vector.shape_cast %div3A_187 : vector<16xf32> to vector<16xf32>
    tpu.vector_store %arg9[%swap3A_188], %swap3A_191 {strides = array<i32>} : memref<128xf32, #tpu.memory_space<vmem>>, vector<16xf32>,
    %get3A_192 = arith.constant 0 : i32
    %get3A_193 = arith.index_cast %get3A_192 : i32 to index
    %get3A_194 = arith.constant 48 : index
    %get3A_195 = tpu.vector_load %arg8[%get3A_193, %get3A_194] {strides = array<i32>} : memref<3x128xf32, #tpu.memory_space<vmem>>, vector<1x16xf32>,
    %get3A_196 = vector.shape_cast %get3A_195 : vector<1x16xf32> to vector<16xf32>
    %get3A_197 = arith.constant 0 : i32
    %get3A_198 = arith.index_cast %get3A_197 : i32 to index
    %get3A_199 = arith.constant 48 : index
    %get3A_200 = tpu.vector_load %arg7[%get3A_198, %get3A_199] {strides = array<i32>} : memref<3x128xi32, #tpu.memory_space<vmem>>, vector<1x16xi32>,
    %get3A_201 = vector.shape_cast %get3A_200 : vector<1x16xi32> to vector<16xi32>
    %convert_element_type3A_202 = arith.sitofp %get3A_201 : vector<16xi32> to vector<16xf32>
    %mul3A_203 = arith.mulf %get3A_196, %convert_element_type3A_202 : vector<16xf32>
    %get3A_204 = arith.constant 1 : i32
    %get3A_205 = arith.index_cast %get3A_204 : i32 to index
    %get3A_206 = arith.constant 48 : index
    %get3A_207 = tpu.vector_load %arg8[%get3A_205, %get3A_206] {strides = array<i32>} : memref<3x128xf32, #tpu.memory_space<vmem>>, vector<1x16xf32>,
    %get3A_208 = vector.shape_cast %get3A_207 : vector<1x16xf32> to vector<16xf32>
    %get3A_209 = arith.constant 1 : i32
    %get3A_210 = arith.index_cast %get3A_209 : i32 to index
    %get3A_211 = arith.constant 48 : index
    %get3A_212 = tpu.vector_load %arg7[%get3A_210, %get3A_211] {strides = array<i32>} : memref<3x128xi32, #tpu.memory_space<vmem>>, vector<1x16xi32>,
    %get3A_213 = vector.shape_cast %get3A_212 : vector<1x16xi32> to vector<16xi32>
    %convert_element_type3A_214 = arith.sitofp %get3A_213 : vector<16xi32> to vector<16xf32>
    %mul3A_215 = arith.mulf %get3A_208, %convert_element_type3A_214 : vector<16xf32>
    %add3A_216 = arith.addf %mul3A_203, %mul3A_215 : vector<16xf32>
    %get3A_217 = arith.constant 2 : i32
    %get3A_218 = arith.index_cast %get3A_217 : i32 to index
    %get3A_219 = arith.constant 48 : index
    %get3A_220 = tpu.vector_load %arg8[%get3A_218, %get3A_219] {strides = array<i32>} : memref<3x128xf32, #tpu.memory_space<vmem>>, vector<1x16xf32>,
    %get3A_221 = vector.shape_cast %get3A_220 : vector<1x16xf32> to vector<16xf32>
    %get3A_222 = arith.constant 2 : i32
    %get3A_223 = arith.index_cast %get3A_222 : i32 to index
    %get3A_224 = arith.constant 48 : index
    %get3A_225 = tpu.vector_load %arg7[%get3A_223, %get3A_224] {strides = array<i32>} : memref<3x128xi32, #tpu.memory_space<vmem>>, vector<1x16xi32>,
    %get3A_226 = vector.shape_cast %get3A_225 : vector<1x16xi32> to vector<16xi32>
    %convert_element_type3A_227 = arith.sitofp %get3A_226 : vector<16xi32> to vector<16xf32>
    %mul3A_228 = arith.mulf %get3A_221, %convert_element_type3A_227 : vector<16xf32>
    %add3A_229 = arith.addf %add3A_216, %mul3A_228 : vector<16xf32>
    %div3A_230 = arith.constant 3.000000e+00 : f32
    %div3A_231 = vector.broadcast %div3A_230 : f32 to vector<16xf32>
    %div3A_232 = arith.divf %add3A_229, %div3A_231 : vector<16xf32>
    %swap3A_233 = arith.constant 48 : index
    %swap3A_234 = tpu.vector_load %arg9[%swap3A_233] {strides = array<i32>} : memref<128xf32, #tpu.memory_space<vmem>>, vector<16xf32>,
    %swap3A_235 = vector.shape_cast %swap3A_234 : vector<16xf32> to vector<16xf32>
    %swap3A_236 = vector.shape_cast %div3A_232 : vector<16xf32> to vector<16xf32>
    tpu.vector_store %arg9[%swap3A_233], %swap3A_236 {strides = array<i32>} : memref<128xf32, #tpu.memory_space<vmem>>, vector<16xf32>,
    %get3A_237 = arith.constant 0 : i32
    %get3A_238 = arith.index_cast %get3A_237 : i32 to index
    %get3A_239 = arith.constant 64 : index
    %get3A_240 = tpu.vector_load %arg8[%get3A_238, %get3A_239] {strides = array<i32>} : memref<3x128xf32, #tpu.memory_space<vmem>>, vector<1x16xf32>,
    %get3A_241 = vector.shape_cast %get3A_240 : vector<1x16xf32> to vector<16xf32>
    %get3A_242 = arith.constant 0 : i32
    %get3A_243 = arith.index_cast %get3A_242 : i32 to index
    %get3A_244 = arith.constant 64 : index
    %get3A_245 = tpu.vector_load %arg7[%get3A_243, %get3A_244] {strides = array<i32>} : memref<3x128xi32, #tpu.memory_space<vmem>>, vector<1x16xi32>,
    %get3A_246 = vector.shape_cast %get3A_245 : vector<1x16xi32> to vector<16xi32>
    %convert_element_type3A_247 = arith.sitofp %get3A_246 : vector<16xi32> to vector<16xf32>
    %mul3A_248 = arith.mulf %get3A_241, %convert_element_type3A_247 : vector<16xf32>
    %get3A_249 = arith.constant 1 : i32
    %get3A_250 = arith.index_cast %get3A_249 : i32 to index
    %get3A_251 = arith.constant 64 : index
    %get3A_252 = tpu.vector_load %arg8[%get3A_250, %get3A_251] {strides = array<i32>} : memref<3x128xf32, #tpu.memory_space<vmem>>, vector<1x16xf32>,
    %get3A_253 = vector.shape_cast %get3A_252 : vector<1x16xf32> to vector<16xf32>
    %get3A_254 = arith.constant 1 : i32
    %get3A_255 = arith.index_cast %get3A_254 : i32 to index
    %get3A_256 = arith.constant 64 : index
    %get3A_257 = tpu.vector_load %arg7[%get3A_255, %get3A_256] {strides = array<i32>} : memref<3x128xi32, #tpu.memory_space<vmem>>, vector<1x16xi32>,
    %get3A_258 = vector.shape_cast %get3A_257 : vector<1x16xi32> to vector<16xi32>
    %convert_element_type3A_259 = arith.sitofp %get3A_258 : vector<16xi32> to vector<16xf32>
    %mul3A_260 = arith.mulf %get3A_253, %convert_element_type3A_259 : vector<16xf32>
    %add3A_261 = arith.addf %mul3A_248, %mul3A_260 : vector<16xf32>
    %get3A_262 = arith.constant 2 : i32
    %get3A_263 = arith.index_cast %get3A_262 : i32 to index
    %get3A_264 = arith.constant 64 : index
    %get3A_265 = tpu.vector_load %arg8[%get3A_263, %get3A_264] {strides = array<i32>} : memref<3x128xf32, #tpu.memory_space<vmem>>, vector<1x16xf32>,
    %get3A_266 = vector.shape_cast %get3A_265 : vector<1x16xf32> to vector<16xf32>
    %get3A_267 = arith.constant 2 : i32
    %get3A_268 = arith.index_cast %get3A_267 : i32 to index
    %get3A_269 = arith.constant 64 : index
    %get3A_270 = tpu.vector_load %arg7[%get3A_268, %get3A_269] {strides = array<i32>} : memref<3x128xi32, #tpu.memory_space<vmem>>, vector<1x16xi32>,
    %get3A_271 = vector.shape_cast %get3A_270 : vector<1x16xi32> to vector<16xi32>
    %convert_element_type3A_272 = arith.sitofp %get3A_271 : vector<16xi32> to vector<16xf32>
    %mul3A_273 = arith.mulf %get3A_266, %convert_element_type3A_272 : vector<16xf32>
    %add3A_274 = arith.addf %add3A_261, %mul3A_273 : vector<16xf32>
    %div3A_275 = arith.constant 3.000000e+00 : f32
    %div3A_276 = vector.broadcast %div3A_275 : f32 to vector<16xf32>
    %div3A_277 = arith.divf %add3A_274, %div3A_276 : vector<16xf32>
    %swap3A_278 = arith.constant 64 : index
    %swap3A_279 = tpu.vector_load %arg9[%swap3A_278] {strides = array<i32>} : memref<128xf32, #tpu.memory_space<vmem>>, vector<16xf32>,
    %swap3A_280 = vector.shape_cast %swap3A_279 : vector<16xf32> to vector<16xf32>
    %swap3A_281 = vector.shape_cast %div3A_277 : vector<16xf32> to vector<16xf32>
    tpu.vector_store %arg9[%swap3A_278], %swap3A_281 {strides = array<i32>} : memref<128xf32, #tpu.memory_space<vmem>>, vector<16xf32>,
    %get3A_282 = arith.constant 0 : i32
    %get3A_283 = arith.index_cast %get3A_282 : i32 to index
    %get3A_284 = arith.constant 80 : index
    %get3A_285 = tpu.vector_load %arg8[%get3A_283, %get3A_284] {strides = array<i32>} : memref<3x128xf32, #tpu.memory_space<vmem>>, vector<1x16xf32>,
    %get3A_286 = vector.shape_cast %get3A_285 : vector<1x16xf32> to vector<16xf32>
    %get3A_287 = arith.constant 0 : i32
    %get3A_288 = arith.index_cast %get3A_287 : i32 to index
    %get3A_289 = arith.constant 80 : index
    %get3A_290 = tpu.vector_load %arg7[%get3A_288, %get3A_289] {strides = array<i32>} : memref<3x128xi32, #tpu.memory_space<vmem>>, vector<1x16xi32>,
    %get3A_291 = vector.shape_cast %get3A_290 : vector<1x16xi32> to vector<16xi32>
    %convert_element_type3A_292 = arith.sitofp %get3A_291 : vector<16xi32> to vector<16xf32>
    %mul3A_293 = arith.mulf %get3A_286, %convert_element_type3A_292 : vector<16xf32>
    %get3A_294 = arith.constant 1 : i32
    %get3A_295 = arith.index_cast %get3A_294 : i32 to index
    %get3A_296 = arith.constant 80 : index
    %get3A_297 = tpu.vector_load %arg8[%get3A_295, %get3A_296] {strides = array<i32>} : memref<3x128xf32, #tpu.memory_space<vmem>>, vector<1x16xf32>,
    %get3A_298 = vector.shape_cast %get3A_297 : vector<1x16xf32> to vector<16xf32>
    %get3A_299 = arith.constant 1 : i32
    %get3A_300 = arith.index_cast %get3A_299 : i32 to index
    %get3A_301 = arith.constant 80 : index
    %get3A_302 = tpu.vector_load %arg7[%get3A_300, %get3A_301] {strides = array<i32>} : memref<3x128xi32, #tpu.memory_space<vmem>>, vector<1x16xi32>,
    %get3A_303 = vector.shape_cast %get3A_302 : vector<1x16xi32> to vector<16xi32>
    %convert_element_type3A_304 = arith.sitofp %get3A_303 : vector<16xi32> to vector<16xf32>
    %mul3A_305 = arith.mulf %get3A_298, %convert_element_type3A_304 : vector<16xf32>
    %add3A_306 = arith.addf %mul3A_293, %mul3A_305 : vector<16xf32>
    %get3A_307 = arith.constant 2 : i32
    %get3A_308 = arith.index_cast %get3A_307 : i32 to index
    %get3A_309 = arith.constant 80 : index
    %get3A_310 = tpu.vector_load %arg8[%get3A_308, %get3A_309] {strides = array<i32>} : memref<3x128xf32, #tpu.memory_space<vmem>>, vector<1x16xf32>,
    %get3A_311 = vector.shape_cast %get3A_310 : vector<1x16xf32> to vector<16xf32>
    %get3A_312 = arith.constant 2 : i32
    %get3A_313 = arith.index_cast %get3A_312 : i32 to index
    %get3A_314 = arith.constant 80 : index
    %get3A_315 = tpu.vector_load %arg7[%get3A_313, %get3A_314] {strides = array<i32>} : memref<3x128xi32, #tpu.memory_space<vmem>>, vector<1x16xi32>,
    %get3A_316 = vector.shape_cast %get3A_315 : vector<1x16xi32> to vector<16xi32>
    %convert_element_type3A_317 = arith.sitofp %get3A_316 : vector<16xi32> to vector<16xf32>
    %mul3A_318 = arith.mulf %get3A_311, %convert_element_type3A_317 : vector<16xf32>
    %add3A_319 = arith.addf %add3A_306, %mul3A_318 : vector<16xf32>
    %div3A_320 = arith.constant 3.000000e+00 : f32
    %div3A_321 = vector.broadcast %div3A_320 : f32 to vector<16xf32>
    %div3A_322 = arith.divf %add3A_319, %div3A_321 : vector<16xf32>
    %swap3A_323 = arith.constant 80 : index
    %swap3A_324 = tpu.vector_load %arg9[%swap3A_323] {strides = array<i32>} : memref<128xf32, #tpu.memory_space<vmem>>, vector<16xf32>,
    %swap3A_325 = vector.shape_cast %swap3A_324 : vector<16xf32> to vector<16xf32>
    %swap3A_326 = vector.shape_cast %div3A_322 : vector<16xf32> to vector<16xf32>
    tpu.vector_store %arg9[%swap3A_323], %swap3A_326 {strides = array<i32>} : memref<128xf32, #tpu.memory_space<vmem>>, vector<16xf32>,
    %get3A_327 = arith.constant 0 : i32
    %get3A_328 = arith.index_cast %get3A_327 : i32 to index
    %get3A_329 = arith.constant 96 : index
    %get3A_330 = tpu.vector_load %arg8[%get3A_328, %get3A_329] {strides = array<i32>} : memref<3x128xf32, #tpu.memory_space<vmem>>, vector<1x16xf32>,
    %get3A_331 = vector.shape_cast %get3A_330 : vector<1x16xf32> to vector<16xf32>
    %get3A_332 = arith.constant 0 : i32
    %get3A_333 = arith.index_cast %get3A_332 : i32 to index
    %get3A_334 = arith.constant 96 : index
    %get3A_335 = tpu.vector_load %arg7[%get3A_333, %get3A_334] {strides = array<i32>} : memref<3x128xi32, #tpu.memory_space<vmem>>, vector<1x16xi32>,
    %get3A_336 = vector.shape_cast %get3A_335 : vector<1x16xi32> to vector<16xi32>
    %convert_element_type3A_337 = arith.sitofp %get3A_336 : vector<16xi32> to vector<16xf32>
    %mul3A_338 = arith.mulf %get3A_331, %convert_element_type3A_337 : vector<16xf32>
    %get3A_339 = arith.constant 1 : i32
    %get3A_340 = arith.index_cast %get3A_339 : i32 to index
    %get3A_341 = arith.constant 96 : index
    %get3A_342 = tpu.vector_load %arg8[%get3A_340, %get3A_341] {strides = array<i32>} : memref<3x128xf32, #tpu.memory_space<vmem>>, vector<1x16xf32>,
    %get3A_343 = vector.shape_cast %get3A_342 : vector<1x16xf32> to vector<16xf32>
    %get3A_344 = arith.constant 1 : i32
    %get3A_345 = arith.index_cast %get3A_344 : i32 to index
    %get3A_346 = arith.constant 96 : index
    %get3A_347 = tpu.vector_load %arg7[%get3A_345, %get3A_346] {strides = array<i32>} : memref<3x128xi32, #tpu.memory_space<vmem>>, vector<1x16xi32>,
    %get3A_348 = vector.shape_cast %get3A_347 : vector<1x16xi32> to vector<16xi32>
    %convert_element_type3A_349 = arith.sitofp %get3A_348 : vector<16xi32> to vector<16xf32>
    %mul3A_350 = arith.mulf %get3A_343, %convert_element_type3A_349 : vector<16xf32>
    %add3A_351 = arith.addf %mul3A_338, %mul3A_350 : vector<16xf32>
    %get3A_352 = arith.constant 2 : i32
    %get3A_353 = arith.index_cast %get3A_352 : i32 to index
    %get3A_354 = arith.constant 96 : index
    %get3A_355 = tpu.vector_load %arg8[%get3A_353, %get3A_354] {strides = array<i32>} : memref<3x128xf32, #tpu.memory_space<vmem>>, vector<1x16xf32>,
    %get3A_356 = vector.shape_cast %get3A_355 : vector<1x16xf32> to vector<16xf32>
    %get3A_357 = arith.constant 2 : i32
    %get3A_358 = arith.index_cast %get3A_357 : i32 to index
    %get3A_359 = arith.constant 96 : index
    %get3A_360 = tpu.vector_load %arg7[%get3A_358, %get3A_359] {strides = array<i32>} : memref<3x128xi32, #tpu.memory_space<vmem>>, vector<1x16xi32>,
    %get3A_361 = vector.shape_cast %get3A_360 : vector<1x16xi32> to vector<16xi32>
    %convert_element_type3A_362 = arith.sitofp %get3A_361 : vector<16xi32> to vector<16xf32>
    %mul3A_363 = arith.mulf %get3A_356, %convert_element_type3A_362 : vector<16xf32>
    %add3A_364 = arith.addf %add3A_351, %mul3A_363 : vector<16xf32>
    %div3A_365 = arith.constant 3.000000e+00 : f32
    %div3A_366 = vector.broadcast %div3A_365 : f32 to vector<16xf32>
    %div3A_367 = arith.divf %add3A_364, %div3A_366 : vector<16xf32>
    %swap3A_368 = arith.constant 96 : index
    %swap3A_369 = tpu.vector_load %arg9[%swap3A_368] {strides = array<i32>} : memref<128xf32, #tpu.memory_space<vmem>>, vector<16xf32>,
    %swap3A_370 = vector.shape_cast %swap3A_369 : vector<16xf32> to vector<16xf32>
    %swap3A_371 = vector.shape_cast %div3A_367 : vector<16xf32> to vector<16xf32>
    tpu.vector_store %arg9[%swap3A_368], %swap3A_371 {strides = array<i32>} : memref<128xf32, #tpu.memory_space<vmem>>, vector<16xf32>,
    %get3A_372 = arith.constant 0 : i32
    %get3A_373 = arith.index_cast %get3A_372 : i32 to index
    %get3A_374 = arith.constant 112 : index
    %get3A_375 = tpu.vector_load %arg8[%get3A_373, %get3A_374] {strides = array<i32>} : memref<3x128xf32, #tpu.memory_space<vmem>>, vector<1x16xf32>,
    %get3A_376 = vector.shape_cast %get3A_375 : vector<1x16xf32> to vector<16xf32>
    %get3A_377 = arith.constant 0 : i32
    %get3A_378 = arith.index_cast %get3A_377 : i32 to index
    %get3A_379 = arith.constant 112 : index
    %get3A_380 = tpu.vector_load %arg7[%get3A_378, %get3A_379] {strides = array<i32>} : memref<3x128xi32, #tpu.memory_space<vmem>>, vector<1x16xi32>,
    %get3A_381 = vector.shape_cast %get3A_380 : vector<1x16xi32> to vector<16xi32>
    %convert_element_type3A_382 = arith.sitofp %get3A_381 : vector<16xi32> to vector<16xf32>
    %mul3A_383 = arith.mulf %get3A_376, %convert_element_type3A_382 : vector<16xf32>
    %get3A_384 = arith.constant 1 : i32
    %get3A_385 = arith.index_cast %get3A_384 : i32 to index
    %get3A_386 = arith.constant 112 : index
    %get3A_387 = tpu.vector_load %arg8[%get3A_385, %get3A_386] {strides = array<i32>} : memref<3x128xf32, #tpu.memory_space<vmem>>, vector<1x16xf32>,
    %get3A_388 = vector.shape_cast %get3A_387 : vector<1x16xf32> to vector<16xf32>
    %get3A_389 = arith.constant 1 : i32
    %get3A_390 = arith.index_cast %get3A_389 : i32 to index
    %get3A_391 = arith.constant 112 : index
    %get3A_392 = tpu.vector_load %arg7[%get3A_390, %get3A_391] {strides = array<i32>} : memref<3x128xi32, #tpu.memory_space<vmem>>, vector<1x16xi32>,
    %get3A_393 = vector.shape_cast %get3A_392 : vector<1x16xi32> to vector<16xi32>
    %convert_element_type3A_394 = arith.sitofp %get3A_393 : vector<16xi32> to vector<16xf32>
    %mul3A_395 = arith.mulf %get3A_388, %convert_element_type3A_394 : vector<16xf32>
    %add3A_396 = arith.addf %mul3A_383, %mul3A_395 : vector<16xf32>
    %get3A_397 = arith.constant 2 : i32
    %get3A_398 = arith.index_cast %get3A_397 : i32 to index
    %get3A_399 = arith.constant 112 : index
    %get3A_400 = tpu.vector_load %arg8[%get3A_398, %get3A_399] {strides = array<i32>} : memref<3x128xf32, #tpu.memory_space<vmem>>, vector<1x16xf32>,
    %get3A_401 = vector.shape_cast %get3A_400 : vector<1x16xf32> to vector<16xf32>
    %get3A_402 = arith.constant 2 : i32
    %get3A_403 = arith.index_cast %get3A_402 : i32 to index
    %get3A_404 = arith.constant 112 : index
    %get3A_405 = tpu.vector_load %arg7[%get3A_403, %get3A_404] {strides = array<i32>} : memref<3x128xi32, #tpu.memory_space<vmem>>, vector<1x16xi32>,
    %get3A_406 = vector.shape_cast %get3A_405 : vector<1x16xi32> to vector<16xi32>
    %convert_element_type3A_407 = arith.sitofp %get3A_406 : vector<16xi32> to vector<16xf32>
    %mul3A_408 = arith.mulf %get3A_401, %convert_element_type3A_407 : vector<16xf32>
    %add3A_409 = arith.addf %add3A_396, %mul3A_408 : vector<16xf32>
    %div3A_410 = arith.constant 3.000000e+00 : f32
    %div3A_411 = vector.broadcast %div3A_410 : f32 to vector<16xf32>
    %div3A_412 = arith.divf %add3A_409, %div3A_411 : vector<16xf32>
    %swap3A_413 = arith.constant 112 : index
    %swap3A_414 = tpu.vector_load %arg9[%swap3A_413] {strides = array<i32>} : memref<128xf32, #tpu.memory_space<vmem>>, vector<16xf32>,
    %swap3A_415 = vector.shape_cast %swap3A_414 : vector<16xf32> to vector<16xf32>
    %swap3A_416 = vector.shape_cast %div3A_412 : vector<16xf32> to vector<16xf32>
    tpu.vector_store %arg9[%swap3A_413], %swap3A_416 {strides = array<i32>} : memref<128xf32, #tpu.memory_space<vmem>>, vector<16xf32>,
    "tpu.region"() ({
      %run_scoped3A = tpu.sem_alloc : memref<!tpu.dma_semaphore, #tpu.memory_space<semaphore_mem>>
      %dma_start3A_417 = tpu.memref_slice %arg5[%mul3A_2] : memref<4096xf32, #tpu.memory_space<hbm>> -> memref<128xf32, #tpu.memory_space<hbm>>
      %dma_start3A_418 = tpu.memref_slice %arg5[%mul3A_2] : memref<4096xf32, #tpu.memory_space<hbm>> -> memref<128xf32, #tpu.memory_space<hbm>>
      tpu.enqueue_dma source(%arg9 : memref<128xf32, #tpu.memory_space<vmem>>) target(%dma_start3A_418 : memref<128xf32, #tpu.memory_space<hbm>>) target_semaphore(%run_scoped3A : memref<!tpu.dma_semaphore, #tpu.memory_space<semaphore_mem>>)
      %dma_wait3A_419 = tpu.memref_slice %arg5[%mul3A_2] : memref<4096xf32, #tpu.memory_space<hbm>> -> memref<128xf32, #tpu.memory_space<hbm>>
      %dma_wait3A_420 = tpu.memref_slice %arg5[%mul3A_2] : memref<4096xf32, #tpu.memory_space<hbm>> -> memref<128xf32, #tpu.memory_space<hbm>>
      tpu.wait_dma2 semaphore(%run_scoped3A : memref<!tpu.dma_semaphore, #tpu.memory_space<semaphore_mem>>) src(%arg9 : memref<128xf32, #tpu.memory_space<vmem>>) dst(%dma_wait3A_420 : memref<128xf32, #tpu.memory_space<hbm>>)
      tpu.yield
    }) : () -> ()
    return
  }
}

module attributes {stable_mosaic.version = 14 : i64} {
  func.func @_tc_body(%arg0: i32, %arg1: memref<1024x128xf32, #tpu.memory_space<vmem>>, %arg2: memref<4096x128xf32, #tpu.memory_space<vmem>>, %arg3: memref<1024x1xf32, #tpu.memory_space<vmem>>, %arg4: memref<1x4096xf32, #tpu.memory_space<vmem>>, %arg5: memref<3x1024xf32, #tpu.memory_space<vmem>>, %arg6: memref<3x1024xi32, #tpu.memory_space<vmem>>) attributes {dimension_semantics = [#tpu.dimension_semantics<arbitrary>], iteration_bounds = array<i64: 4>, scalar_prefetch = 0 : i64, scratch_operands = 0 : i64, tpu.core_type = #tpu.core_type<tc>, window_params = [{transform_indices = @transform_0, window_bounds = array<i64: 1024, 128>}, {pipeline_mode = #tpu.pipeline_mode<synchronous>, transform_indices = @transform_1, window_bounds = array<i64: 4096, 128>}, {transform_indices = @transform_2, window_bounds = array<i64: 1024, 1>}, {pipeline_mode = #tpu.pipeline_mode<synchronous>, transform_indices = @transform_3, window_bounds = array<i64: 1, 4096>}, {transform_indices = @transform_4, window_bounds = array<i64: 3, 1024>}, {transform_indices = @transform_5, window_bounds = array<i64: 3, 1024>}]} {
    %get3A = arith.constant 0 : index
    %get3A_0 = arith.constant 0 : index
    %get3A_1 = vector.load %arg1[%get3A, %get3A_0] : memref<1024x128xf32, #tpu.memory_space<vmem>>, vector<1024x128xf32>
    %get3A_2 = arith.constant 0 : index
    %get3A_3 = arith.constant 0 : index
    %get3A_4 = vector.load %arg2[%get3A_2, %get3A_3] : memref<4096x128xf32, #tpu.memory_space<vmem>>, vector<4096x128xf32>
    %dot_general3A = arith.constant dense<0.000000e+00> : vector<1024x4096xf32>
    %dot_general3A_5 = tpu.matmul %get3A_1, %get3A_4, %dot_general3A {dimension_numbers = #tpu.dot_dimension_numbers<[1], [1], [0], [0], [0, 0, 1, 0], [], []>, transpose_lhs_hint = false} : vector<1024x128xf32>, vector<4096x128xf32>, vector<1024x4096xf32> -> vector<1024x4096xf32>
    %get3A_6 = arith.constant 0 : index
    %get3A_7 = arith.constant 0 : index
    %get3A_8 = vector.load %arg3[%get3A_6, %get3A_7] : memref<1024x1xf32, #tpu.memory_space<vmem>>, vector<1024x1xf32>
    %get3A_9 = arith.constant 0 : index
    %get3A_10 = arith.constant 0 : index
    %get3A_11 = vector.load %arg4[%get3A_9, %get3A_10] : memref<1x4096xf32, #tpu.memory_space<vmem>>, vector<1x4096xf32>
    %add3A = vector.broadcast %get3A_8 : vector<1024x1xf32> to vector<1024x4096xf32>
    %add3A_12 = vector.broadcast %get3A_11 : vector<1x4096xf32> to vector<1024x4096xf32>
    %add3A_13 = arith.addf %add3A, %add3A_12 : vector<1024x4096xf32>
    %mul3A = arith.constant 2.000000e+00 : f32
    %mul3A_14 = vector.broadcast %mul3A : f32 to vector<1024x4096xf32>
    %mul3A_15 = arith.mulf %mul3A_14, %dot_general3A_5 : vector<1024x4096xf32>
    %sub3A = arith.subf %add3A_13, %mul3A_15 : vector<1024x4096xf32>
    %gt3A = arith.constant 0.000000e+00 : f32
    %gt3A_16 = vector.broadcast %gt3A : f32 to vector<1024x4096xf32>
    %gt3A_17 = arith.cmpf ogt, %sub3A, %gt3A_16 : vector<1024x4096xf32>
    %jit3A = arith.constant 0x7F800000 : f32
    %broadcast_in_dim3A = vector.broadcast %jit3A : f32 to vector<1024x4096xf32>
    %select_n3A = arith.select %gt3A_17, %sub3A, %broadcast_in_dim3A : vector<1024x4096xi1>, vector<1024x4096xf32>
    %mul3A_18 = arith.constant 1024 : i32
    %mul3A_19 = arith.muli %arg0, %mul3A_18 : i32
    %iota3A = tpu.iota {dimensions = array<i32: 1>} : vector<1x1024xi32>
    %add3A_20 = vector.broadcast %mul3A_19 : i32 to vector<1x1024xi32>
    %add3A_21 = arith.addi %add3A_20, %iota3A : vector<1x1024xi32>
    %iota3A_22 = tpu.iota {dimensions = array<i32: 1>} : vector<1x4096xi32>
    %convert_element_type3A = arith.sitofp %iota3A_22 : vector<1x4096xi32> to vector<1x4096xf32>
    %reduce_min3A = arith.constant dense<0x7F800000> : vector<1024xf32>
    %reduce_min3A_23 = vector.multi_reduction <minimumf>, %select_n3A, %reduce_min3A [1] : vector<1024x4096xf32> to vector<1024xf32>
    %broadcast_in_dim3A_24 = vector.shape_cast %reduce_min3A_23 : vector<1024xf32> to vector<1024x1xf32>
    %eq3A = vector.broadcast %broadcast_in_dim3A_24 : vector<1024x1xf32> to vector<1024x4096xf32>
    %eq3A_25 = arith.cmpf oeq, %select_n3A, %eq3A : vector<1024x4096xf32>
    %jit3A_26 = arith.constant 4.096000e+03 : f32
    %broadcast_in_dim3A_27 = vector.shape_cast %convert_element_type3A : vector<1x4096xf32> to vector<1x4096xf32>
    %broadcast_in_dim3A_28 = vector.broadcast %broadcast_in_dim3A_27 : vector<1x4096xf32> to vector<1024x4096xf32>
    %broadcast_in_dim3A_29 = vector.broadcast %jit3A_26 : f32 to vector<1024x4096xf32>
    %select_n3A_30 = arith.select %eq3A_25, %broadcast_in_dim3A_28, %broadcast_in_dim3A_29 : vector<1024x4096xi1>, vector<1024x4096xf32>
    %reduce_min3A_31 = arith.constant dense<0x7F800000> : vector<1024xf32>
    %reduce_min3A_32 = vector.multi_reduction <minimumf>, %select_n3A_30, %reduce_min3A_31 [1] : vector<1024x4096xf32> to vector<1024xf32>
    %broadcast_in_dim3A_33 = vector.shape_cast %reduce_min3A_32 : vector<1024xf32> to vector<1024x1xf32>
    %transpose3A = tpu.transpose %broadcast_in_dim3A_24, [1, 0] : vector<1024x1xf32> -> vector<1x1024xf32>
    %sqrt3A = math.sqrt %transpose3A : vector<1x1024xf32>
    %add3A_34 = arith.constant 1.000000e+00 : f32
    %add3A_35 = vector.broadcast %add3A_34 : f32 to vector<1x1024xf32>
    %add3A_36 = arith.addf %sqrt3A, %add3A_35 : vector<1x1024xf32>
    %div3A = arith.constant 1.000000e+00 : f32
    %div3A_37 = vector.broadcast %div3A : f32 to vector<1x1024xf32>
    %div3A_38 = arith.divf %div3A_37, %add3A_36 : vector<1x1024xf32>
    %swap3A = arith.constant 0 : index
    %swap3A_39 = arith.constant 0 : index
    %swap3A_40 = vector.load %arg5[%swap3A, %swap3A_39] : memref<3x1024xf32, #tpu.memory_space<vmem>>, vector<1x1024xf32>
    tpu.vector_store %arg5[%swap3A, %swap3A_39], %div3A_38 {strides = array<i32>} : memref<3x1024xf32, #tpu.memory_space<vmem>>, vector<1x1024xf32>,
    %mul3A_41 = arith.constant 4096 : i32
    %mul3A_42 = vector.broadcast %mul3A_41 : i32 to vector<1x1024xi32>
    %mul3A_43 = arith.muli %add3A_21, %mul3A_42 : vector<1x1024xi32>
    %transpose3A_44 = tpu.transpose %broadcast_in_dim3A_33, [1, 0] : vector<1024x1xf32> -> vector<1x1024xf32>
    %convert_element_type3A_45 = arith.fptosi %transpose3A_44 : vector<1x1024xf32> to vector<1x1024xi32>
    %add3A_46 = arith.addi %mul3A_43, %convert_element_type3A_45 : vector<1x1024xi32>
    %swap3A_47 = arith.constant 0 : index
    %swap3A_48 = arith.constant 0 : index
    %swap3A_49 = vector.load %arg6[%swap3A_47, %swap3A_48] : memref<3x1024xi32, #tpu.memory_space<vmem>>, vector<1x1024xi32>
    tpu.vector_store %arg6[%swap3A_47, %swap3A_48], %add3A_46 {strides = array<i32>} : memref<3x1024xi32, #tpu.memory_space<vmem>>, vector<1x1024xi32>,
    %eq3A_50 = vector.broadcast %convert_element_type3A : vector<1x4096xf32> to vector<1024x4096xf32>
    %eq3A_51 = vector.broadcast %broadcast_in_dim3A_33 : vector<1024x1xf32> to vector<1024x4096xf32>
    %eq3A_52 = arith.cmpf oeq, %eq3A_50, %eq3A_51 : vector<1024x4096xf32>
    %jit3A_53 = arith.constant 0x7F800000 : f32
    %broadcast_in_dim3A_54 = vector.broadcast %jit3A_53 : f32 to vector<1024x4096xf32>
    %select_n3A_55 = arith.select %eq3A_52, %broadcast_in_dim3A_54, %select_n3A : vector<1024x4096xi1>, vector<1024x4096xf32>
    %reduce_min3A_56 = arith.constant dense<0x7F800000> : vector<1024xf32>
    %reduce_min3A_57 = vector.multi_reduction <minimumf>, %select_n3A_55, %reduce_min3A_56 [1] : vector<1024x4096xf32> to vector<1024xf32>
    %broadcast_in_dim3A_58 = vector.shape_cast %reduce_min3A_57 : vector<1024xf32> to vector<1024x1xf32>
    %eq3A_59 = vector.broadcast %broadcast_in_dim3A_58 : vector<1024x1xf32> to vector<1024x4096xf32>
    %eq3A_60 = arith.cmpf oeq, %select_n3A_55, %eq3A_59 : vector<1024x4096xf32>
    %jit3A_61 = arith.constant 4.096000e+03 : f32
    %broadcast_in_dim3A_62 = vector.shape_cast %convert_element_type3A : vector<1x4096xf32> to vector<1x4096xf32>
    %broadcast_in_dim3A_63 = vector.broadcast %broadcast_in_dim3A_62 : vector<1x4096xf32> to vector<1024x4096xf32>
    %broadcast_in_dim3A_64 = vector.broadcast %jit3A_61 : f32 to vector<1024x4096xf32>
    %select_n3A_65 = arith.select %eq3A_60, %broadcast_in_dim3A_63, %broadcast_in_dim3A_64 : vector<1024x4096xi1>, vector<1024x4096xf32>
    %reduce_min3A_66 = arith.constant dense<0x7F800000> : vector<1024xf32>
    %reduce_min3A_67 = vector.multi_reduction <minimumf>, %select_n3A_65, %reduce_min3A_66 [1] : vector<1024x4096xf32> to vector<1024xf32>
    %broadcast_in_dim3A_68 = vector.shape_cast %reduce_min3A_67 : vector<1024xf32> to vector<1024x1xf32>
    %transpose3A_69 = tpu.transpose %broadcast_in_dim3A_58, [1, 0] : vector<1024x1xf32> -> vector<1x1024xf32>
    %sqrt3A_70 = math.sqrt %transpose3A_69 : vector<1x1024xf32>
    %add3A_71 = arith.constant 1.000000e+00 : f32
    %add3A_72 = vector.broadcast %add3A_71 : f32 to vector<1x1024xf32>
    %add3A_73 = arith.addf %sqrt3A_70, %add3A_72 : vector<1x1024xf32>
    %div3A_74 = arith.constant 1.000000e+00 : f32
    %div3A_75 = vector.broadcast %div3A_74 : f32 to vector<1x1024xf32>
    %div3A_76 = arith.divf %div3A_75, %add3A_73 : vector<1x1024xf32>
    %swap3A_77 = arith.constant 1 : index
    %swap3A_78 = arith.constant 0 : index
    %swap3A_79 = vector.load %arg5[%swap3A_77, %swap3A_78] : memref<3x1024xf32, #tpu.memory_space<vmem>>, vector<1x1024xf32>
    tpu.vector_store %arg5[%swap3A_77, %swap3A_78], %div3A_76 {strides = array<i32>} : memref<3x1024xf32, #tpu.memory_space<vmem>>, vector<1x1024xf32>,
    %mul3A_80 = arith.constant 4096 : i32
    %mul3A_81 = vector.broadcast %mul3A_80 : i32 to vector<1x1024xi32>
    %mul3A_82 = arith.muli %add3A_21, %mul3A_81 : vector<1x1024xi32>
    %transpose3A_83 = tpu.transpose %broadcast_in_dim3A_68, [1, 0] : vector<1024x1xf32> -> vector<1x1024xf32>
    %convert_element_type3A_84 = arith.fptosi %transpose3A_83 : vector<1x1024xf32> to vector<1x1024xi32>
    %add3A_85 = arith.addi %mul3A_82, %convert_element_type3A_84 : vector<1x1024xi32>
    %swap3A_86 = arith.constant 1 : index
    %swap3A_87 = arith.constant 0 : index
    %swap3A_88 = vector.load %arg6[%swap3A_86, %swap3A_87] : memref<3x1024xi32, #tpu.memory_space<vmem>>, vector<1x1024xi32>
    tpu.vector_store %arg6[%swap3A_86, %swap3A_87], %add3A_85 {strides = array<i32>} : memref<3x1024xi32, #tpu.memory_space<vmem>>, vector<1x1024xi32>,
    %eq3A_89 = vector.broadcast %convert_element_type3A : vector<1x4096xf32> to vector<1024x4096xf32>
    %eq3A_90 = vector.broadcast %broadcast_in_dim3A_68 : vector<1024x1xf32> to vector<1024x4096xf32>
    %eq3A_91 = arith.cmpf oeq, %eq3A_89, %eq3A_90 : vector<1024x4096xf32>
    %jit3A_92 = arith.constant 0x7F800000 : f32
    %broadcast_in_dim3A_93 = vector.broadcast %jit3A_92 : f32 to vector<1024x4096xf32>
    %select_n3A_94 = arith.select %eq3A_91, %broadcast_in_dim3A_93, %select_n3A_55 : vector<1024x4096xi1>, vector<1024x4096xf32>
    %reduce_min3A_95 = arith.constant dense<0x7F800000> : vector<1024xf32>
    %reduce_min3A_96 = vector.multi_reduction <minimumf>, %select_n3A_94, %reduce_min3A_95 [1] : vector<1024x4096xf32> to vector<1024xf32>
    %broadcast_in_dim3A_97 = vector.shape_cast %reduce_min3A_96 : vector<1024xf32> to vector<1024x1xf32>
    %eq3A_98 = vector.broadcast %broadcast_in_dim3A_97 : vector<1024x1xf32> to vector<1024x4096xf32>
    %eq3A_99 = arith.cmpf oeq, %select_n3A_94, %eq3A_98 : vector<1024x4096xf32>
    %jit3A_100 = arith.constant 4.096000e+03 : f32
    %broadcast_in_dim3A_101 = vector.shape_cast %convert_element_type3A : vector<1x4096xf32> to vector<1x4096xf32>
    %broadcast_in_dim3A_102 = vector.broadcast %broadcast_in_dim3A_101 : vector<1x4096xf32> to vector<1024x4096xf32>
    %broadcast_in_dim3A_103 = vector.broadcast %jit3A_100 : f32 to vector<1024x4096xf32>
    %select_n3A_104 = arith.select %eq3A_99, %broadcast_in_dim3A_102, %broadcast_in_dim3A_103 : vector<1024x4096xi1>, vector<1024x4096xf32>
    %reduce_min3A_105 = arith.constant dense<0x7F800000> : vector<1024xf32>
    %reduce_min3A_106 = vector.multi_reduction <minimumf>, %select_n3A_104, %reduce_min3A_105 [1] : vector<1024x4096xf32> to vector<1024xf32>
    %broadcast_in_dim3A_107 = vector.shape_cast %reduce_min3A_106 : vector<1024xf32> to vector<1024x1xf32>
    %transpose3A_108 = tpu.transpose %broadcast_in_dim3A_97, [1, 0] : vector<1024x1xf32> -> vector<1x1024xf32>
    %sqrt3A_109 = math.sqrt %transpose3A_108 : vector<1x1024xf32>
    %add3A_110 = arith.constant 1.000000e+00 : f32
    %add3A_111 = vector.broadcast %add3A_110 : f32 to vector<1x1024xf32>
    %add3A_112 = arith.addf %sqrt3A_109, %add3A_111 : vector<1x1024xf32>
    %div3A_113 = arith.constant 1.000000e+00 : f32
    %div3A_114 = vector.broadcast %div3A_113 : f32 to vector<1x1024xf32>
    %div3A_115 = arith.divf %div3A_114, %add3A_112 : vector<1x1024xf32>
    %swap3A_116 = arith.constant 2 : index
    %swap3A_117 = arith.constant 0 : index
    %swap3A_118 = vector.load %arg5[%swap3A_116, %swap3A_117] : memref<3x1024xf32, #tpu.memory_space<vmem>>, vector<1x1024xf32>
    tpu.vector_store %arg5[%swap3A_116, %swap3A_117], %div3A_115 {strides = array<i32>} : memref<3x1024xf32, #tpu.memory_space<vmem>>, vector<1x1024xf32>,
    %mul3A_119 = arith.constant 4096 : i32
    %mul3A_120 = vector.broadcast %mul3A_119 : i32 to vector<1x1024xi32>
    %mul3A_121 = arith.muli %add3A_21, %mul3A_120 : vector<1x1024xi32>
    %transpose3A_122 = tpu.transpose %broadcast_in_dim3A_107, [1, 0] : vector<1024x1xf32> -> vector<1x1024xf32>
    %convert_element_type3A_123 = arith.fptosi %transpose3A_122 : vector<1x1024xf32> to vector<1x1024xi32>
    %add3A_124 = arith.addi %mul3A_121, %convert_element_type3A_123 : vector<1x1024xi32>
    %swap3A_125 = arith.constant 2 : index
    %swap3A_126 = arith.constant 0 : index
    %swap3A_127 = vector.load %arg6[%swap3A_125, %swap3A_126] : memref<3x1024xi32, #tpu.memory_space<vmem>>, vector<1x1024xi32>
    tpu.vector_store %arg6[%swap3A_125, %swap3A_126], %add3A_124 {strides = array<i32>} : memref<3x1024xi32, #tpu.memory_space<vmem>>, vector<1x1024xi32>,
    return
  }
  func.func @transform_0(%arg0: i32) -> (i32, i32) {
    %c0_i32 = arith.constant 0 : i32
    %c0_i32_0 = arith.constant 0 : i32
    return %arg0, %c0_i32 : i32, i32
  }
  func.func @transform_1(%arg0: i32) -> (i32, i32) {
    %c0_i32 = arith.constant 0 : i32
    %c0_i32_0 = arith.constant 0 : i32
    %c0_i32_1 = arith.constant 0 : i32
    return %c0_i32, %c0_i32_0 : i32, i32
  }
  func.func @transform_2(%arg0: i32) -> (i32, i32) {
    %c0_i32 = arith.constant 0 : i32
    %c0_i32_0 = arith.constant 0 : i32
    return %arg0, %c0_i32 : i32, i32
  }
  func.func @transform_3(%arg0: i32) -> (i32, i32) {
    %c0_i32 = arith.constant 0 : i32
    %c0_i32_0 = arith.constant 0 : i32
    %c0_i32_1 = arith.constant 0 : i32
    return %c0_i32, %c0_i32_0 : i32, i32
  }
  func.func @transform_4(%arg0: i32) -> (i32, i32) {
    %c0_i32 = arith.constant 0 : i32
    %c0_i32_0 = arith.constant 0 : i32
    return %c0_i32, %arg0 : i32, i32
  }
  func.func @transform_5(%arg0: i32) -> (i32, i32) {
    %c0_i32 = arith.constant 0 : i32
    %c0_i32_0 = arith.constant 0 : i32
    return %c0_i32, %arg0 : i32, i32
  }
}

</mosaic_0001>

<sc_bundles>
// kernel: kernel.4.cloned.1.call-start
scs
__scs_entry_jumppad:
0x0: {  	(pc) =	sbr.rel $0x88, $3  }
0x1: {  	(tag) =	ssettag $0x0;
	lr =	simm.s32 $0x1  }
0x2: {  	[smem:$0x3F9F] =	sst lr;
	_ =	strace $0xD0000000  }
0x3: {  	_ = 	snop  }
0x4: {  	_ = 	snop  }
0x5: {  	_ = 	snop  }
0x6: {  	_ = 	snop  }
0x7: {  	_ = 	snop  }
__scs_overlays_trampoline_lowered:
0x8: {  	[smem:$0x3FAE] =	sst s0  }
0x9: {  	[smem:$0x3FAF] =	sst s1  }
0xa: {  	[smem:$0x3FB0] =	sst s2  }
0xb: {  	[smem:$0x3FB1] =	sst s3  }
0xc: {  	[smem:$0x3FB2] =	sst s4  }
0xd: {  	[smem:$0x3FB3] =	sst s5  }
0xe: {  	[smem:$0x3FB4] =	sst s6  }
0xf: {  	[smem:$0x3FB5] =	sst s7  }
0x10: {  	[smem:$0x3FB6] =	sst s8  }
0x11: {  	[smem:$0x3FB7] =	sst s9;
	s0 =	simm.s32 @!p0 $0x0  }
0x12: {  	s1 =	sld [smem:$0x3F9D];
	s0 =	simm.s32 @p0 $0x1  }
0x13: {  	[smem:$0x3FB8] =	sst s0;
	s0 =	simm.s32 @!p1 $0x0  }
0x14: {  	s2 =	sld [smem:$0x3F9C];
	s0 =	simm.s32 @p1 $0x1  }
0x15: {  	[smem:$0x3FB9] =	sst s0;
	s0 =	simm.s32 @!p2 $0x0  }
0x16: {  	s3 =	sld [smem:$0x3FDB];
	s0 =	simm.s32 @p2 $0x1  }
0x17: {  	s4 =	simm.s32 $0x1BF5;
	[smem:$0x3FBB] =	sst s0  }
0x18: {  	s0 =	sld [smem:$0x3F9E];
	_ =	swait.ge [sflag:s4], $0x0  }
0x19: {  	s7 =	sld [smem:$0x3F9F]  }
0x1a: {  	s8 =	sadd.s32 $0xFFFFE003, lr  }
0x1b: {  	s9 =	sadd.s32 $0xFFFFFEF7, lr;
	s5 =	simm.s32 $0xFFFFFFFF;
	p2 =	slt.u32 s8, $0xFFFFF086  }
0x1c: {  	p1 =	slt.u32 s9, $0xF7A;
	s5 =	simm.s32 @!p2 $0x0  }
0x1d: {  	s5 =	simm.s32 @p1 $0x1;
	p0 =	seq.s32 s7, s2  }
0x1e: {  	s7 =	smul.u32 @!p0 $0xF7A, s2;
	p2 =	seq.s32 @!p0 s5, $0x0  }
0x1f: {  	s9 =	smul.u32 $0xF7A, s1;
	s8 =	simm.s32 @!p0 $0x1BF5;
	p2 =	por !p2, p0  }
0x20: {  	[sflag:s8] =	ssyncset.s32 @!p0 $0xFFFFF086;
	s6 =	sadd.s32 @!p0 s3, s7;
	s7 =	simm.s32 @!p0 $0x108  }
0x21: {  	s3 =	sadd.s32 s3, s9;
	s6 =	sadd.s32 @!p0 $0x88, s6;
	s7 =	simm.s32 @p2 $0x1082  }
0x22: {  	[simem:s7], [sflag:s8] =	dma.local @!p0 [hbm:s6], $0xF7A  }
0x23: {  	s9 =	sor.u32 $0xD0000000, s2;
	s6 =	simm.s32 $0x108;
	_ =	swait.ge @!p0 [sflag:s8], $0x0  }
0x24: {  	s3 =	sadd.s32 $0x88, s3;
	s6 =	simm.s32 @!p1 $0x1082;
	[sflag:s4] =	ssyncset.s32 $0xFFFFF086  }
0x25: {  	[simem:s6], [sflag:s4] =	dma.local [hbm:s3], $0xF7A  }
0x26: {  	[smem:$0x3F9F] =	sst s1;
	(tag) =	ssettag s2;
	_ =	strace s9  }
0x27: {  	s1 =	sld [smem:$0x3FAF]  }
0x28: {  	s2 =	sld [smem:$0x3FB0]  }
0x29: {  	s4 =	sld [smem:$0x3FB2]  }
0x2a: {  	p0 =	seq.s32 s5, $0x0;
	s5 =	sld [smem:$0x3FB3]  }
0x2b: {  	s6 =	sld [smem:$0x3FB4]  }
0x2c: {  	s7 =	sld [smem:$0x3FB5]  }
0x2d: {  	s3 =	simm.s32 $0x108;
	s8 =	sld [smem:$0x3FB6]  }
0x2e: {  	s3 =	simm.s32 @!p0 $0x1082;
	s9 =	sld [smem:$0x3FB7]  }
0x2f: {  	lr =	sadd.s32 s0, s3;
	s0 =	sld [smem:$0x3FAE]  }
0x30: {  	s3 =	sld [smem:$0x3FB1]  }
0x31: {  	[smem:$0x3FBA] =	sst s10  }
0x32: {  	s10 =	sld [smem:$0x3FB8];
	_ =	sdelay $0x3  }
0x33: {  	p0 =	seq.s32 s10, $0x1;
	s10 =	sld [smem:$0x3FBA];
	_ =	sdelay $0x3  }
0x34: {  	[smem:$0x3FBA] =	sst s10  }
0x35: {  	s10 =	sld [smem:$0x3FB9];
	_ =	sdelay $0x3  }
0x36: {  	p1 =	seq.s32 s10, $0x1;
	s10 =	sld [smem:$0x3FBA];
	_ =	sdelay $0x3  }
0x37: {  	[smem:$0x3FBA] =	sst s10  }
0x38: {  	s10 =	sld [smem:$0x3FBB]  }
0x39: {  	_ = 	snop;
	(pc) =	sbr.ind lr, $3  }
0x3a: {  	_ = 	snop  }
0x3b: {  	_ = 	snop  }
0x3c: {  	p2 =	seq.s32 s10, $0x1;
	s10 =	sld [smem:$0x3FBA]  }
0x3d: {  	_ =	shalt  }
0x3e: {  	_ =	shalt  }
0x3f: {  	_ =	shalt  }
0x40: {  	_ =	shalt  }
0x41: {  	_ =	shalt  }
0x42: {  	_ =	shalt  }
0x43: {  	_ =	shalt  }
0x44: {  	_ =	shalt  }
0x45: {  	_ =	shalt  }
0x46: {  	_ =	shalt  }
0x47: {  	_ =	shalt  }
0x48: {  	_ =	shalt  }
0x49: {  	_ =	shalt  }
0x4a: {  	_ =	shalt  }
0x4b: {  	_ =	shalt  }
0x4c: {  	_ =	shalt  }
0x4d: {  	_ =	shalt  }
0x4e: {  	_ =	shalt  }
0x4f: {  	_ =	shalt  }
0x50: {  	_ =	shalt  }
0x51: {  	_ =	shalt  }
0x52: {  	_ =	shalt  }
0x53: {  	_ =	shalt  }
0x54: {  	_ =	shalt  }
0x55: {  	_ =	shalt  }
0x56: {  	_ =	shalt  }
0x57: {  	_ =	shalt  }
0x58: {  	_ =	shalt  }
0x59: {  	_ =	shalt  }
0x5a: {  	_ =	shalt  }
0x5b: {  	_ =	shalt  }
0x5c: {  	_ =	shalt  }
0x5d: {  	_ =	shalt  }
0x5e: {  	_ =	shalt  }
0x5f: {  	_ =	shalt  }
0x60: {  	_ =	shalt  }
0x61: {  	_ =	shalt  }
0x62: {  	_ =	shalt  }
0x63: {  	_ =	shalt  }
0x64: {  	_ =	shalt  }
0x65: {  	_ =	shalt  }
0x66: {  	_ =	shalt  }
0x67: {  	_ =	shalt  }
0x68: {  	_ =	shalt  }
0x69: {  	_ =	shalt  }
0x6a: {  	_ =	shalt  }
0x6b: {  	_ =	shalt  }
0x6c: {  	_ =	shalt  }
0x6d: {  	_ =	shalt  }
0x6e: {  	_ =	shalt  }
0x6f: {  	_ =	shalt  }
0x70: {  	_ =	shalt  }
0x71: {  	_ =	shalt  }
0x72: {  	_ =	shalt  }
0x73: {  	_ =	shalt  }
0x74: {  	_ =	shalt  }
0x75: {  	_ =	shalt  }
0x76: {  	_ =	shalt  }
0x77: {  	_ =	shalt  }
0x78: {  	_ =	shalt  }
0x79: {  	_ =	shalt  }
0x7a: {  	_ =	shalt  }
0x7b: {  	_ =	shalt  }
0x7c: {  	_ =	shalt  }
0x7d: {  	_ =	shalt  }
0x7e: {  	_ =	shalt  }
0x7f: {  	_ =	shalt  }
0x80: {  	_ =	shalt  }
0x81: {  	_ =	shalt  }
0x82: {  	_ =	shalt  }
0x83: {  	_ =	shalt  }
0x84: {  	_ =	shalt  }
0x85: {  	_ =	shalt  }
0x86: {  	_ =	shalt  }
0x87: {  	_ =	shalt  }
.Lfunc_end0:
.L_simem_size_0:
called_computation.1_lowered:
.L_overlay_start_0:
0x88: {  	s2 =	sld [smem:$0x3FD9]  }
0x89: {  	s3 =	sld [smem:$0x3FFE];
	_ =	sdelay $0x1  }
0x8a: {  	s1 =	srdreg.scid  }
0x8b: {  	s0 =	sand.u32 $0x1, s1  }
0x8c: {  	s17 =	sshll.u32 s0, $0xA;
	s2 =	sadd.s32 s3, s2  }
0x8d: {  	s2 =	sadd.s32 s2, s17  }
0x8e: {  	[smem:$0x3FC6] =	sst s2  }
0x8f: {  	_ = 	snop  }
0x90: {  	s2 =	sld [smem:$0x3FD0];
	(tm) =	ssettm $0x1  }
0x91: {  	s18 =	sld [smem:$0x3FFB];
	_ =	sdelay $0x3  }
0x92: {  	_ =	strace s18  }
0x93: {  	s3 =	sld [smem:$0x3FFC];
	_ =	sdelay $0x3  }
0x94: {  	_ =	strace s3  }
0x95: {  	s3 =	sld [smem:$0x3FFD];
	_ =	sdelay $0x3  }
0x96: {  	_ =	strace s3  }
0x97: {  	_ =	strace $0x8FFFFFFF  }
0x98: {  	s19 =	sld [smem:$0x3FDB];
	_ =	sdelay $0x1  }
0x99: {  	s4 =	simm.s32 $_scs_section_size  }
0x9a: {  	s5 =	simm.s32 $_size__tile_overlayer_lowered;
	s6 =	simm.s32 $_tile_overlayer_lowered  }
0x9b: {  	s22 =	simm.s32 $0x1BFF;
	s21 =	sshll.u32 s6, $0x1;
	s3 =	sadd.s32 s4, s19  }
0x9c: {  	s7 =	simm.s32 $0x0;
	s20 =	sshll.u32 s5, $0x1;
	s5 =	sadd.s32 s21, s3  }
0x9d: {  	[timem:s7], [sflag:s22] =	dma.local [hbm:s5], s20  }
0x9e: {  	_ =	swait.ge [sflag:s22], s20  }
0x9f: {  	s4 =	ssub.s32 $0x0, s20;
	[sflag:s22] =	ssyncset.done $0x0  }
0xa0: {  	[sflag:s22] =	ssyncadd.s32 s4;
	_ =	sdelay $0x1  }
0xa1: {  	s23 =	simm.s32 $0x1B8B  }
0xa2: {  	_ =	swait.ge [sflag:s23], $0x1  }
0xa3: {  	[sflag:s23] =	ssyncset.done $0x0  }
0xa4: {  	s25 =	simm.s32 $0x1B8E;
	s24 =	sld [smem:$0x3FFE];
	[sflag:s23] =	ssyncadd.s32 $0xFFFFFFFF  }
0xa5: {  	s26 =	simm.s32 $execute0_lowered;
	[smem:$0x3FD2] =	sst s25  }
0xa6: {  	s5 =	sshll.u32 s26, $0x1;
	_ =	strace $0x80000049;
	[dreg:$0x1] =	wrdreg $0xFFFFFFFF  }
0xa7: {  	s28 =	simm.s32 $_size_execute0_lowered;
	s3 =	sadd.s32 s3, s5;
	[dreg:$0x0] =	wrdreg $0x0  }
0xa8: {  	s5 =	sshll.u32 s28, $0x1;
	[dreg:$0x2] =	wrdreg s3  }
0xa9: {  	[dreg:$0x3] =	wrdreg s5  }
0xaa: {  	[dreg:$0x4] =	wrdreg $0xC0  }
0xab: {  	_ =	task [dreg:s7], $0x5FFFF  }
0xac: {  	[dreg:$0x1] =	wrdreg $0xFFFFFFFF  }
0xad: {  	[dreg:$0x0] =	wrdreg $0x60  }
0xae: {  	[dreg:$0x2] =	wrdreg s24  }
0xaf: {  	[dreg:$0x3] =	wrdreg s2  }
0xb0: {  	[dreg:$0x4] =	wrdreg $0x9  }
0xb1: {  	_ =	task.clear_ibuf [dreg:s7], $0x5FFFF;
	_ =	strace $0x90000049  }
0xb2: {  	s29 =	simm.s32 $0x9;
	_ =	strace $0x8000004B  }
0xb3: {  	_ =	swait.ge [sflag:s29], $0x1  }
0xb4: {  	[sflag:s29] =	ssyncadd.s32 $0xFFFFFFFF  }
0xb5: {  	_ =	strace $0x9000004B  }
0xb6: {  	_ =	sfence  }
0xb7: {  	s30 =	sld [smem:$0x0];
	_ =	sdelay $0x2  }
0xb8: {  	s31 =	sshll.u32 s1, $0xD;
	s1 =	sshrl.u32 s1, $0x2  }
0xb9: {  	s3 =	sand.u32 $0x4000, s31;
	s1 =	sadd.s32 s1, s30  }
0xba: {  	s0 =	sor.u32 s3, s0;
	s1 =	sshll.u32 s1, $0x11  }
0xbb: {  	s0 =	sor.u32 s1, s0  }
0xbc: {  	s0 =	sadd.s32 $0x8F2B, s0  }
0xbd: {  	[sflag:s0] =	ssyncadd.remote.s32 $0x1  }
0xbe: {  	_ =	sfence.sel $0xFFFF  }
0xbf: {  	[dreg:$0x0] =	wrdreg $0xFFFFFFFF;
	(pc) =	sbr.abs _section_cstart, $3  }
0xc0: {  	[dreg:$0x1] =	wrdreg $0xFFFFFFFF  }
0xc1: {  	_ =	task.clear_ibuf [dreg:s7], $0x2FFFF;
	_ =	strace $0x9FFFFFFF  }
0xc2: {  	(tm) =	ssettm $0x7FFFFFFF  }
0xc3: {  	_ =	shalt  }
tec
execute0_lowered:
.L_overlay_start_1:
0x0: {  	(tag) =	ssettag $0x1  }
0x1: {  	s3 =	rddreg [dreg:$0x0]  }
0x2: {  	s6 =	rddreg [dreg:$0x1];
	s1 =	simm.s32 $0x0  }
0x3: {  	[smem:$0x7FF] =	sst s1  }
0x4: {  	s0 =	rddreg [dreg:$0x2];
	v0 =	vimm.f32 $3.000000000e+00;
	_ =	strace $0x8000004A  }
0x5: {  	(erf) = vrcp.f32 v0  }
0x6: {  	s4 =	srdreg.scid;
	s2 =	stileid.u32  }
0x7: {  	s9 =	simm.s32 $0x4000;
	s10 =	simm.s32 $0x2;
	s11 =	simm.s32 $0x400  }
0x8: {  	s12 =	simm.s32 $0x80;
	s13 =	simm.s32 $0x1;
	s14 =	simm.s32 $0x280  }
0x9: {  	s15 =	simm.s32 $0x100;
	s4 =	sand.u32 $0x1, s4;
	s5 =	sshll.u32 s2, $0x1  }
0xa: {  	s16 =	simm.s32 $0x300;
	s7 =	sor.u32 s4, s5;
	s4 =	ssub.s32 $0x2, s4  }
0xb: {  	s17 =	simm.s32 $0x600;
	s5 =	sshll.u32 s7, $0x6;
	s8 =	sshrl.u32 s4, $0x1  }
0xc: {  	s7 =	sshll.u32 s7, $0x4;
	s5 =	sadd.s32 s5, s3;
	s3 =	sadd.s32 $0xC00, s3  }
0xd: {  	s8 =	ssub.s32 s4, s8;
	s6 =	sadd.s32 s6, s7;
	s4 =	sadd.s32 $0x200C00, s5  }
0xe: {  	s5 =	sadd.s32 $0x201400, s5;
	s7 =	smax.u32 s8, $0x1;
	s8 =	simm.s32 $0x200;
	v0 =	vpop (erf)  }
.LBB2_1:
0xf: {  	[tilespmem:s1], [sflag:$0x2] =	stream.strided.gather [hbm4b:s4+s8], $0x0, s9, s8, $0x38;
	[tilespmem:$0x680] =	vst v63  }
0x10: {  	_ = 	snop  }
0x11: {  	[tilespmem:s1], [sflag:$0x2] =	stream.linear.gather [hbm4b:s4+s1], $0x180, $0x38;
	[tilespmem:$0x680] =	vst v63  }
0x12: {  	_ =	swait.ge [sflag:s10], $0x180  }
0x13: {  	[sflag:s10] =	ssyncset.done $0x0  }
0x14: {  	[sflag:s10] =	ssyncadd.s32 $0xFFFFFE80  }
0x15: {  	[tilespmem:s11], [sflag:$0x2] =	stream.strided.gather [hbm4b:s5+s8], $0x0, s9, s8, $0x38;
	[tilespmem:$0x680] =	vst v63  }
0x16: {  	_ = 	snop  }
0x17: {  	[tilespmem:s11], [sflag:$0x2] =	stream.linear.gather [hbm4b:s5+s1], $0x180, $0x38;
	[tilespmem:$0x680] =	vst v63  }
0x18: {  	_ =	swait.ge [sflag:s10], $0x180  }
0x19: {  	[sflag:s10] =	ssyncset.done $0x0  }
0x1a: {  	[sflag:s10] =	ssyncadd.s32 $0xFFFFFE80  }
0x1b: {  	[tilespmem:s8], [sflag:$0x1] =	stream.indirect.gather [hbm4b:s3+s12], $0x1, s1, s12, $0xb8;
	[tilespmem:$0x680] =	vst v63  }
0x1c: {  	_ =	swait.ge [sflag:s13], $0x80  }
0x1d: {  	[sflag:s13] =	ssyncset.done $0x0  }
0x1e: {  	[sflag:s13] =	ssyncadd.s32 $0xFFFFFF80  }
0x1f: {  	[tilespmem:s14], [sflag:$0x1] =	stream.indirect.gather [hbm4b:s3+s12], $0x1, s12, s12, $0xb8;
	[tilespmem:$0x680] =	vst v63  }
0x20: {  	_ =	swait.ge [sflag:s13], $0x80  }
0x21: {  	[sflag:s13] =	ssyncset.done $0x0  }
0x22: {  	[sflag:s13] =	ssyncadd.s32 $0xFFFFFF80  }
0x23: {  	[tilespmem:s16], [sflag:$0x1] =	stream.indirect.gather [hbm4b:s3+s12], $0x1, s15, s12, $0xb8;
	[tilespmem:$0x680] =	vst v63  }
0x24: {  	_ =	swait.ge [sflag:s13], $0x80  }
0x25: {  	[sflag:s13] =	ssyncset.done $0x0  }
0x26: {  	[sflag:s13] =	ssyncadd.s32 $0xFFFFFF80  }
0x27: {  	v1 =	vld [tilespmem:$0x400]  }
0x28: {  	v2 =	vld [tilespmem:$0x200]  }
0x29: {  	v3 =	vld [tilespmem:$0x480]  }
0x2a: {  	v4 =	vld [tilespmem:$0x280]  }
0x2b: {  	v5 =	vld [tilespmem:$0x500]  }
0x2c: {  	v6 =	vld [tilespmem:$0x300]  }
0x2d: {  	v7 =	vld [tilespmem:$0x410]  }
0x2e: {  	v8 =	vld [tilespmem:$0x210]  }
0x2f: {  	v9 =	vld [tilespmem:$0x490]  }
0x30: {  	v10 =	vld [tilespmem:$0x290]  }
0x31: {  	v11 =	vld [tilespmem:$0x510]  }
0x32: {  	v12 =	vld [tilespmem:$0x310]  }
0x33: {  	v13 =	vld [tilespmem:$0x420]  }
0x34: {  	v14 =	vld [tilespmem:$0x220]  }
0x35: {  	v15 =	vld [tilespmem:$0x4A0]  }
0x36: {  	v16 =	vld [tilespmem:$0x2A0]  }
0x37: {  	v17 =	vld [tilespmem:$0x520]  }
0x38: {  	v18 =	vld [tilespmem:$0x320]  }
0x39: {  	v19 =	vld [tilespmem:$0x430]  }
0x3a: {  	v20 =	vld [tilespmem:$0x230]  }
0x3b: {  	v21 =	vld [tilespmem:$0x4B0]  }
0x3c: {  	v22 =	vld [tilespmem:$0x2B0]  }
0x3d: {  	v23 =	vld [tilespmem:$0x530]  }
0x3e: {  	v24 =	vld [tilespmem:$0x330]  }
0x3f: {  	v25 =	vld [tilespmem:$0x440]  }
0x40: {  	v26 =	vld [tilespmem:$0x240]  }
0x41: {  	v28 =	vld [tilespmem:$0x2C0];
	v2 =	vcvt.s32.f32 v2  }
0x42: {  	v49 =	vld [tilespmem:$0x340];
	v4 =	vcvt.s32.f32 v4;
	v47 =	vcvt.s32.f32 v6  }
0x43: {  	v51 =	vld [tilespmem:$0x250];
	v48 =	vcvt.s32.f32 v8;
	v10 =	vcvt.s32.f32 v10  }
0x44: {  	v57 =	vld [tilespmem:$0x2D0];
	v12 =	vcvt.s32.f32 v12;
	v55 =	vcvt.s32.f32 v14  }
0x45: {  	v45 =	vld [tilespmem:$0x2F0];
	v56 =	vcvt.s32.f32 v16;
	v58 =	vcvt.s32.f32 v18  }
0x46: {  	v27 =	vld [tilespmem:$0x4C0];
	v59 =	vcvt.s32.f32 v20;
	v33 =	vcvt.s32.f32 v22  }
0x47: {  	v29 =	vld [tilespmem:$0x450];
	v34 =	vcvt.s32.f32 v24;
	v36 =	vcvt.s32.f32 v26  }
0x48: {  	v54 =	vld [tilespmem:$0x4D0];
	v37 =	vcvt.s32.f32 v28;
	v44 =	vcvt.s32.f32 v49  }
0x49: {  	v60 =	vld [tilespmem:$0x550];
	v6 =	vcvt.s32.f32 v51;
	v46 =	vcvt.s32.f32 v57  }
0x4a: {  	v61 =	vld [tilespmem:$0x350];
	v8 =	vcvt.s32.f32 v45;
	v1 =	vmul.f32 v2, v1  }
0x4b: {  	v32 =	vld [tilespmem:$0x460];
	v2 =	vmul.f32 v4, v3;
	v4 =	vmul.f32 v47, v5  }
0x4c: {  	v35 =	vld [tilespmem:$0x260];
	v50 =	vmul.f32 v48, v7;
	v52 =	vmul.f32 v10, v9  }
0x4d: {  	v43 =	vld [tilespmem:$0x270];
	v53 =	vmul.f32 v12, v11;
	v11 =	vmul.f32 v55, v13  }
0x4e: {  	v40 =	vld [tilespmem:$0x2E0];
	v12 =	vmul.f32 v56, v15;
	v62 =	vmul.f32 v58, v17  }
0x4f: {  	v49 =	vld [tilespmem:$0x4F0];
	v63 =	vmul.f32 v59, v19;
	v39 =	vmul.f32 v34, v23  }
0x50: {  	v51 =	vld [tilespmem:$0x360];
	v41 =	vmul.f32 v36, v25;
	v42 =	vmul.f32 v37, v27  }
0x51: {  	v3 =	vld [tilespmem:$0x540];
	v13 =	vcvt.s32.f32 v61;
	v48 =	vmul.f32 v6, v29  }
0x52: {  	v47 =	vld [tilespmem:$0x470];
	v9 =	vmul.f32 v46, v54;
	v56 =	vcvt.s32.f32 v43;
	v1 =	vadd.f32 v2, v1  }
0x53: {  	v54 =	vld [tilespmem:$0x370];
	v2 =	vmul.f32 v33, v21;
	v5 =	vadd.f32 v52, v50;
	v11 =	vadd.f32 v12, v11  }
0x54: {  	v38 =	vld [tilespmem:$0x4E0];
	v50 =	vmul.f32 v13, v60;
	v52 =	vcvt.s32.f32 v35;
	v7 =	vadd.f32 v42, v41  }
0x55: {  	v6 =	vmul.f32 v8, v49;
	v59 =	vcvt.s32.f32 v51;
	v1 =	vadd.f32 v4, v1  }
0x56: {  	v55 =	vld [tilespmem:$0x560];
	v5 =	vadd.f32 v53, v5;
	v2 =	vadd.f32 v2, v63;
	v53 =	vcvt.s32.f32 v40  }
0x57: {  	v57 =	vld [tilespmem:$0x570];
	v11 =	vadd.f32 v62, v11;
	v13 =	vmul.f32 v52, v32;
	v3 =	vmul.f32 v44, v3  }
0x58: {  	v4 =	vadd.f32 v9, v48;
	v58 =	vmul.f32 v56, v47;
	v60 =	vcvt.s32.f32 v54  }
0x59: {  	v2 =	vadd.f32 v39, v2;
	v15 =	vmul.f32 v53, v38;
	v1 =	vmul.f32 v1, v0  }
0x5a: {  	v4 =	vadd.f32 v50, v4;
	v5 =	vmul.f32 v5, v0;
	v61 =	vmul.f32 v11, v0  }
0x5b: {  	v3 =	vadd.f32 v3, v7;
	v7 =	vmul.f32 v59, v55;
	[tilespmem:$0x600] =	vst v1;
	v1 =	vadd.f32 v15, v13  }
0x5c: {  	v62 =	vadd.f32 v6, v58;
	v63 =	vmul.f32 v60, v57;
	[tilespmem:$0x610] =	vst v5;
	v2 =	vmul.f32 v2, v0  }
0x5d: {  	[tilespmem:$0x620] =	vst v61;
	v4 =	vmul.f32 v4, v0;
	v1 =	vadd.f32 v7, v1  }
0x5e: {  	v3 =	vmul.f32 v3, v0;
	[tilespmem:$0x630] =	vst v2;
	v2 =	vadd.f32 v63, v62  }
0x5f: {  	[tilespmem:$0x650] =	vst v4;
	v1 =	vmul.f32 v1, v0  }
0x60: {  	[tilespmem:$0x640] =	vst v3;
	v2 =	vmul.f32 v2, v0  }
0x61: {  	p0 =	sne.s32 s7, $0x1;
	[tilespmem:$0x660] =	vst v1  }
.Ltmp0:
0x62: {  	[tilespmem:$0x670] =	vst v2;
	(pc) =	sbr.rel @p0 .LBB2_1-.Ltmp0, $4  }
0x63: {  	[hbm4b:s6+s1] =	stream.linear.scatter [tilespmem:s17], [sflag:$0x2], $0x80, $0x38;
	[tilespmem:$0x680] =	vst v63  }
0x64: {  	_ =	swait.ge [sflag:s10], $0x80  }
0x65: {  	[sflag:s10] =	ssyncset.done $0x0  }
0x66: {  	s7 =	sadd.s32 $0xFFFFFFFF, s7;
	[sflag:s10] =	ssyncadd.s32 $0xFFFFFF80  }
0x67: {  	_ =	sfence.sel $0x180000  }
0x68: {  	[bflag:$0x0] =	sbarrier.arrive $0xFFFF  }
0x69: {  	p0 =	sne.s32 s2, $0x0;
	_ =	strace $0x9000004A  }
0x6a: {  	s0 =	sadd.s32 @!p0 $0x100000, s0;
	[bflag:$0x2] =	sbarrier.arrive $0xFFFF  }
0x6b: {  	[sflag:s0] =	ssyncadd.tile.s32 @!p0 $0x1;
	_ =	shalt  }
.Lfunc_end2:
_tile_overlayer_lowered:
.L_overlay_start_2:
0x6c: {  	(tag) =	ssettag $0x2  }
0x6d: {  	s0 =	rddreg [dreg:$0x0];
	s2 =	stileid.u32  }
0x6e: {  	s1 =	rddreg [dreg:$0x1];
	p0 =	sne.s32 s2, $0x0  }
0x6f: {  	s3 =	rddreg [dreg:$0x2];
	[bflag:$0x3] =	sbarrier.arrive $0xFFFF;
	s2 =	simm.s32 @!p0 $0x1C02  }
0x70: {  	[timem:s3], [sflag:s2] =	dma.local @!p0 [hbm:s0], s1  }
0x71: {  	s0 =	simm.s32 @!p0 $0x2  }
0x72: {  	_ =	swait.ge @!p0 [sflag:s0], s1  }
0x73: {  	s1 =	ssub.s32 @!p0 $0x0, s1;
	[sflag:s0] =	ssyncset.done @!p0 $0x0  }
0x74: {  	[sflag:s0] =	ssyncadd.s32 @!p0 s1  }
0x75: {  	[bflag:$0x3] =	sbarrier.arrive $0xFFFF  }
0x76: {  	_ =	shalt  }

// kernel: sparse-core-data-format-call.cloned.1.call-start
scs
called_computation_lowered:
.L_overlay_start_0:
0x0: {  	s2 =	sld [smem:$0x3FD9]  }
0x1: {  	s3 =	sld [smem:$0x3FFE];
	_ =	sdelay $0x1  }
0x2: {  	s1 =	srdreg.scid  }
0x3: {  	s0 =	sand.u32 $0x1, s1  }
0x4: {  	s18 =	sshll.u32 s0, $0xA;
	s2 =	sadd.s32 s3, s2  }
0x5: {  	s2 =	sadd.s32 s2, s18  }
0x6: {  	[smem:$0x3FC6] =	sst s2  }
0x7: {  	_ = 	snop  }
0x8: {  	s2 =	sld [smem:$0x3FC8];
	(tm) =	ssettm $0x1  }
0x9: {  	s19 =	sld [smem:$0x3FFB];
	_ =	sdelay $0x3  }
0xa: {  	_ =	strace s19  }
0xb: {  	s3 =	sld [smem:$0x3FFC];
	_ =	sdelay $0x3  }
0xc: {  	_ =	strace s3  }
0xd: {  	s3 =	sld [smem:$0x3FFD];
	_ =	sdelay $0x3  }
0xe: {  	_ =	strace s3  }
0xf: {  	_ =	strace $0x8FFFFFFF  }
0x10: {  	s20 =	sld [smem:$0x3FDB];
	_ =	sdelay $0x1  }
0x11: {  	s4 =	simm.s32 $_scs_section_size  }
0x12: {  	s5 =	simm.s32 $_size__tile_overlayer_lowered;
	s6 =	simm.s32 $_tile_overlayer_lowered  }
0x13: {  	s23 =	simm.s32 $0x1BFF;
	s22 =	sshll.u32 s6, $0x1;
	s3 =	sadd.s32 s4, s20  }
0x14: {  	s7 =	simm.s32 $0x0;
	s21 =	sshll.u32 s5, $0x1;
	s5 =	sadd.s32 s22, s3  }
0x15: {  	[timem:s7], [sflag:s23] =	dma.local [hbm:s5], s21  }
0x16: {  	_ =	swait.ge [sflag:s23], s21  }
0x17: {  	s4 =	ssub.s32 $0x0, s21;
	[sflag:s23] =	ssyncset.done $0x0  }
0x18: {  	[sflag:s23] =	ssyncadd.s32 s4;
	_ =	sdelay $0x1  }
0x19: {  	s24 =	simm.s32 $0x1B8B  }
0x1a: {  	_ =	swait.ge [sflag:s24], $0x1  }
0x1b: {  	[sflag:s24] =	ssyncset.done $0x0  }
0x1c: {  	s26 =	simm.s32 $0x1B8E;
	s25 =	sld [smem:$0x3FFE];
	[sflag:s24] =	ssyncadd.s32 $0xFFFFFFFF  }
0x1d: {  	s27 =	simm.s32 $execute0_lowered;
	[smem:$0x3FD2] =	sst s26  }
0x1e: {  	s5 =	sshll.u32 s27, $0x1;
	_ =	strace $0x80000046;
	[dreg:$0x1] =	wrdreg $0xFFFFFFFF  }
0x1f: {  	s28 =	simm.s32 $_size_execute0_lowered;
	s3 =	sadd.s32 s3, s5;
	[dreg:$0x0] =	wrdreg $0x0  }
0x20: {  	s5 =	sshll.u32 s28, $0x1;
	[dreg:$0x2] =	wrdreg s3  }
0x21: {  	[dreg:$0x3] =	wrdreg s5  }
0x22: {  	[dreg:$0x4] =	wrdreg $0xC0  }
0x23: {  	_ =	task [dreg:s7], $0x5FFFF  }
0x24: {  	[dreg:$0x1] =	wrdreg $0xFFFFFFFF  }
0x25: {  	[dreg:$0x0] =	wrdreg $0x60  }
0x26: {  	[dreg:$0x2] =	wrdreg s2  }
0x27: {  	[dreg:$0x3] =	wrdreg s25  }
0x28: {  	[dreg:$0x4] =	wrdreg $0x9  }
0x29: {  	_ =	task.clear_ibuf [dreg:s7], $0x5FFFF;
	_ =	strace $0x90000046  }
0x2a: {  	s29 =	simm.s32 $0x9;
	_ =	strace $0x80000048  }
0x2b: {  	_ =	swait.ge [sflag:s29], $0x1  }
0x2c: {  	[sflag:s29] =	ssyncadd.s32 $0xFFFFFFFF  }
0x2d: {  	_ =	strace $0x90000048  }
0x2e: {  	_ =	sfence  }
0x2f: {  	s30 =	sld [smem:$0x0];
	_ =	sdelay $0x2  }
0x30: {  	s31 =	sshll.u32 s1, $0xD;
	s1 =	sshrl.u32 s1, $0x2  }
0x31: {  	s3 =	sand.u32 $0x4000, s31;
	s1 =	sadd.s32 s1, s30  }
0x32: {  	s0 =	sor.u32 s3, s0;
	s1 =	sshll.u32 s1, $0x11  }
0x33: {  	s0 =	sor.u32 s1, s0  }
0x34: {  	s0 =	sadd.s32 $0x8F2B, s0  }
0x35: {  	[sflag:s0] =	ssyncadd.remote.s32 $0x1  }
0x36: {  	_ =	sfence.sel $0xFFFF  }
0x37: {  	[dreg:$0x0] =	wrdreg $0xFFFFFFFF;
	(pc) =	sbr.abs _section_cstart, $3  }
0x38: {  	[dreg:$0x1] =	wrdreg $0xFFFFFFFF  }
0x39: {  	_ =	task.clear_ibuf [dreg:s7], $0x2FFFF;
	_ =	strace $0x9FFFFFFF  }
0x3a: {  	(tm) =	ssettm $0x7FFFFFFF  }
0x3b: {  	_ =	shalt  }
tec
execute0_lowered:
.L_overlay_start_1:
0x0: {  	(tag) =	ssettag $0x1  }
0x1: {  	s2 =	rddreg [dreg:$0x0]  }
0x2: {  	s1 =	rddreg [dreg:$0x1]  }
0x3: {  	s0 =	rddreg [dreg:$0x2];
	_ =	strace $0x80000047;
	s4 =	srdreg.scid  }
0x4: {  	s6 =	simm.s32 $0x2;
	s11 =	simm.s32 $0x0;
	p0 =	por $0x0, $0x0  }
.Ltmp0:
0x5: {  	s7 =	simm.s32 $0x1000;
	s12 =	simm.s32 $0x0;
	(pc) =	sbr.rel .LBB1_1-.Ltmp0, $4  }
0x6: {  	s9 =	simm.s32 $0x0;
	s3 =	sadd.s32 $0xC00, s1;
	s5 =	sshll.u32 s4, $0x4  }
0x7: {  	s1 =	stileid.u32;
	s4 =	simm.s32 $0x1;
	s5 =	sand.u32 $0x10, s5  }
0x8: {  	s8 =	simm.s32 $0x0;
	[sflag:s4] =	ssyncpa.u1 $0x0;
	s5 =	sor.u32 s1, s5  }
0x9: {  	[sflag:s6] =	ssyncpa.u1 $0x0;
	s6 =	simm.s32 $0x800;
	s10 =	smov.u32 s5  }
.LBB1_7:
0xa: {  	s13 =	sadd.s32 $0x10, s9  }
0xb: {  	s11 =	sadd.s32 $0x20, s10;
	s15 =	smov.u32 s10;
	p2 =	sgt.s32 s13, $0x1F  }
0xc: {  	p1 =	slt.u32 s8, $0x2;
	s15 =	smov.u32 @p2 s11  }
0xd: {  	s8 =	sadd.s32 $0x1, s8;
	s13 =	simm.s32 @p2 $0x0;
	p2 =	sgt.s32 s15, $0x1FF  }
0xe: {  	s15 =	smov.u32 @p2 s5;
	p2 =	sne.s32 s8, $0x22  }
.Ltmp1:
0xf: {  	_ = 	snop;
	(pc) =	sbr.rel @!p2 .LBB1_8-.Ltmp1, $4  }
0x10: {  	s14 =	simm.s32 @!p1 $0x2  }
0x11: {  	s12 =	smov.u32 s10;
	_ =	swait.ge @!p1 [sflag:s14], $0x4000  }
0x12: {  	p0 =	por !p0, !p0;
	s11 =	smov.u32 s9;
	[sflag:s14] =	ssyncset.done @!p1 $0x0  }
0x13: {  	s9 =	smov.u32 s13;
	[sflag:s14] =	ssyncadd.s32 @!p1 $0xFFFFC000;
	s10 =	smov.u32 s15  }
.LBB1_1:
0x14: {  	p1 =	sgt.u32 s8, $0x1F  }
0x15: {  	s13 =	sxor.u32 @!p1 $0xFFFFFFFF, s8;
	s14 =	sshll.u32 @!p1 s10, $0xC  }
0x16: {  	s15 =	sshll.u32 @!p1 s9, $0x7;
	s13 =	sshll.u32 @!p1 s13, $0xE;
	s14 =	sadd.s32 @!p1 s2, s14  }
0x17: {  	s13 =	sand.u32 @!p1 $0x4000, s13;
	s14 =	sadd.s32 @!p1 s15, s14;
	s15 =	simm.s32 @!p1 $0x0  }
0x18: {  	[tilespmem:s13], [sflag:$0x1] =	stream.linear.gather @!p1 [hbm4b:s14+s15], $0x4000, $0x38;
	[tilespmem:$0x10000] =	vst v63  }
0x19: {  	p1 =	seq.s32 s8, $0x0  }
0x1a: {  	p2 =	seq.s32 @!p1 s8, $0x21  }
0x1b: {  	p1 =	por p1, p2  }
.Ltmp2:
0x1c: {  	_ = 	snop;
	(pc) =	sbr.rel @p1 .LBB1_7-.Ltmp2, $1  }
0x1d: {  	_ =	sdelay $0x3  }
0x1e: {  	s13 =	simm.s32 $0x1;
	_ =	swait.ge [sflag:s4], $0x4000;
	s16 =	sshll.u32 s8, $0xE  }
0x1f: {  	s13 =	simm.s32 @!p0 $0x0;
	[sflag:s4] =	ssyncset.done $0x0;
	s31 =	sand.u32 $0x4000, s16  }
0x20: {  	s16 =	simm.s32 $0x0;
	s14 =	sshll.u32 s13, $0xE;
	[sflag:s4] =	ssyncadd.s32 $0xFFFFC000  }
0x21: {  	s13 =	sor.u32 $0x8040, s14;
	s15 =	sor.u32 $0x40, s14;
	s14 =	sor.u32 $0x8000, s31  }
.LBB1_3:
0x22: {  	v0 =	vmov s15;
	_ =	sdelay $0x3  }
0x23: {  	s18 =	simm.s32 $0x0  }
0x24: {  	v6 =	vld.idx.msk [tilespmem:v0+s18+$0x30 ss:$0x1], $0xffff  }
0x25: {  	v7 =	vld.idx.msk [tilespmem:v0+s18+$0xFFFFFFC0 ss:$0x1], $0xffff  }
0x26: {  	v5 =	vld.idx.msk [tilespmem:v0+s18+$0xFFFFFFD0 ss:$0x1], $0xffff  }
0x27: {  	v4 =	vld.idx.msk [tilespmem:v0+s18+$0xFFFFFFE0 ss:$0x1], $0xffff  }
0x28: {  	v3 =	vld.idx.msk [tilespmem:v0+s18+$0xFFFFFFF0 ss:$0x1], $0xffff  }
0x29: {  	v1 =	vld.idx.msk [tilespmem:v0+s18+$0x0 ss:$0x1], $0xffff  }
0x2a: {  	v2 =	vld.idx.msk [tilespmem:v0+s18+$0x10 ss:$0x1], $0xffff;
	[tilespmem:s13+$0x30] =	vst v6  }
0x2b: {  	s17 =	simm.s32 $0x80;
	s19 =	simm.s32 $0x400;
	[tilespmem:s13+$0xFFFFFFC0] =	vst v7;
	v6 =	vld.idx.msk [tilespmem:v0+s18+$0x20 ss:$0x1], $0xffff;
	s18 =	smov.u32 s13  }
.LBB1_4:
0x2c: {  	p1 =	sne.s32 s19, $0xE00;
	v7 =	vld.idx.msk [tilespmem:v0+s17+$0x30 ss:$0x1], $0xffff;
	[tilespmem:s18+$0xFFFFFFD0] =	vst v5  }
0x2d: {  	v8 =	vld.idx.msk [tilespmem:v0+s17+$0xFFFFFFC0 ss:$0x1], $0xffff;
	[tilespmem:s18+$0xFFFFFFE0] =	vst v4  }
0x2e: {  	v5 =	vld.idx.msk [tilespmem:v0+s17+$0xFFFFFFD0 ss:$0x1], $0xffff;
	[tilespmem:s18+$0xFFFFFFF0] =	vst v3  }
.Ltmp3:
0x2f: {  	v4 =	vld.idx.msk [tilespmem:v0+s17+$0xFFFFFFE0 ss:$0x1], $0xffff;
	[tilespmem:s18+$0x0] =	vst v1;
	(pc) =	sbr.rel @p1 .LBB1_4-.Ltmp3, $4  }
0x30: {  	v3 =	vld.idx.msk [tilespmem:v0+s17+$0xFFFFFFF0 ss:$0x1], $0xffff;
	[tilespmem:s18+$0x10] =	vst v2  }
0x31: {  	v1 =	vld.idx.msk [tilespmem:v0+s17+$0x0 ss:$0x1], $0xffff;
	[tilespmem:s18+$0x20] =	vst v6;
	s18 =	sadd.s32 $0x800, s18  }
0x32: {  	v2 =	vld.idx.msk [tilespmem:v0+s17+$0x10 ss:$0x1], $0xffff;
	[tilespmem:s18+$0x30] =	vst v7  }
0x33: {  	[tilespmem:s18+$0xFFFFFFC0] =	vst v8;
	v6 =	vld.idx.msk [tilespmem:v0+s17+$0x20 ss:$0x1], $0xffff;
	s17 =	sshra.s32 s19, $0x2;
	s19 =	sadd.s32 $0x200, s19  }
0x34: {  	_ =	sdelay $0x2  }
0x35: {  	[tilespmem:s18+$0xFFFFFFD0] =	vst v5  }
0x36: {  	v56 =	vld.idx.msk [tilespmem:v0+s17+$0x30 ss:$0x1], $0xffff;
	[tilespmem:s18+$0xFFFFFFE0] =	vst v4  }
0x37: {  	v57 =	vld.idx.msk [tilespmem:v0+s17+$0xFFFFFFC0 ss:$0x1], $0xffff;
	[tilespmem:s18+$0xFFFFFFF0] =	vst v3  }
0x38: {  	v58 =	vld.idx.msk [tilespmem:v0+s17+$0xFFFFFFD0 ss:$0x1], $0xffff;
	[tilespmem:s18+$0x0] =	vst v1  }
0x39: {  	v59 =	vld.idx.msk [tilespmem:v0+s17+$0xFFFFFFE0 ss:$0x1], $0xffff;
	[tilespmem:s18+$0x10] =	vst v2  }
0x3a: {  	v60 =	vld.idx.msk [tilespmem:v0+s17+$0xFFFFFFF0 ss:$0x1], $0xffff;
	s31 =	sadd.s32 $0x800, s18;
	[tilespmem:s18+$0x20] =	vst v6  }
0x3b: {  	v61 =	vld.idx.msk [tilespmem:v0+s17+$0x0 ss:$0x1], $0xffff;
	[tilespmem:s31+$0x30] =	vst v56  }
0x3c: {  	v62 =	vld.idx.msk [tilespmem:v0+s17+$0x10 ss:$0x1], $0xffff;
	s16 =	sadd.s32 $0x1, s16;
	[tilespmem:s31+$0xFFFFFFC0] =	vst v57  }
0x3d: {  	v63 =	vld.idx.msk [tilespmem:v0+s17+$0x20 ss:$0x1], $0xffff;
	p1 =	sne.s32 s16, $0x10;
	[tilespmem:s31+$0xFFFFFFD0] =	vst v58  }
.Ltmp4:
0x3e: {  	[tilespmem:s31+$0xFFFFFFE0] =	vst v59;
	(pc) =	sbr.rel @p1 .LBB1_3-.Ltmp4, $4  }
0x3f: {  	[tilespmem:s31+$0xFFFFFFF0] =	vst v60  }
0x40: {  	[tilespmem:s31+$0x0] =	vst v61  }
0x41: {  	[tilespmem:s31+$0x10] =	vst v62  }
0x42: {  	s13 =	sadd.s32 $0x80, s13;
	s15 =	sadd.s32 $0x400, s15;
	[tilespmem:s31+$0x20] =	vst v63  }
.Ltmp5:
0x43: {  	(pc) =	sbr.rel .LBB1_7-.Ltmp5, $4  }
0x44: {  	s12 =	sshll.u32 s12, $0xC;
	s11 =	sshll.u32 s11, $0x4  }
0x45: {  	s11 =	sand.u32 $0x1F0, s11;
	s12 =	sadd.s32 s3, s12  }
0x46: {  	s11 =	sadd.s32 s11, s12  }
0x47: {  	[hbm4b:s11+s6] =	stream.strided.scatter [tilespmem:s14], [sflag:$0x2], $0x4000, s7, s6, $0x38;
	[tilespmem:$0x10000] =	vst v63  }
.LBB1_8:
0x48: {  	_ =	sfence.sel $0x180000  }
0x49: {  	s2 =	simm.s32 $0x1;
	[bflag:$0x0] =	sbarrier.arrive $0xFFFF  }
0x4a: {  	s31 =	simm.s32 $0x2;
	[sflag:s2] =	ssyncpa.u1 $0x1  }
0x4b: {  	[sflag:s31] =	ssyncpa.u1 $0x1  }
0x4c: {  	p0 =	sne.s32 s1, $0x0;
	_ =	strace $0x90000047  }
0x4d: {  	s0 =	sadd.s32 @!p0 $0x100000, s0;
	[bflag:$0x2] =	sbarrier.arrive $0xFFFF  }
0x4e: {  	[sflag:s0] =	ssyncadd.tile.s32 @!p0 $0x1;
	_ =	shalt  }
.Lfunc_end1:
_tile_overlayer_lowered:
.L_overlay_start_2:
0x4f: {  	(tag) =	ssettag $0x2  }
0x50: {  	s0 =	rddreg [dreg:$0x0];
	s2 =	stileid.u32  }
0x51: {  	s1 =	rddreg [dreg:$0x1];
	p0 =	sne.s32 s2, $0x0  }
0x52: {  	s3 =	rddreg [dreg:$0x2];
	[bflag:$0x3] =	sbarrier.arrive $0xFFFF;
	s2 =	simm.s32 @!p0 $0x1C01  }
0x53: {  	[timem:s3], [sflag:s2] =	dma.local @!p0 [hbm:s0], s1  }
0x54: {  	s0 =	simm.s32 @!p0 $0x1  }
0x55: {  	_ =	swait.ge @!p0 [sflag:s0], s1  }
0x56: {  	s1 =	ssub.s32 @!p0 $0x0, s1;
	[sflag:s0] =	ssyncset.done @!p0 $0x0  }
0x57: {  	[sflag:s0] =	ssyncadd.s32 @!p0 s1  }
0x58: {  	[bflag:$0x3] =	sbarrier.arrive $0xFFFF  }
0x59: {  	_ =	shalt  }

</sc_bundles>
